<compile_context>
chip_gen: v7x
topology: tpu7x:2x2x1
jax: 0.10.2.dev20260603
libtpu: 0.0.44.dev20260713+nightly
codegen_flags: <defaults>
</compile_context>

<pallas_src>
import jax
import jax.numpy as jnp
from jax import lax
from jax.experimental import pallas as pl
from jax.experimental.pallas import tpu as pltpu
from jax.experimental.pallas import tpu_sc as plsc

N_NODE = 10000
E = 160000
D = 128
NC = 2
NS = 16
NW = NC * NS
EP = 165888
CK = 96
CHUNKS = EP // (NW * CK)
EPT = EP // NW
NPAD = 10240
RPT = NPAD // NS
CROWS = NPAD // 128


NB = 2
GROUPS = CHUNKS // NB


def _sc_body(fu, fi, s0, d0, s1, d1, s2, d2, zrows, zcnt,
             out_sum, oc0, oc1, oc2, ssum, sidx, didx, r0, r1,
             cnt, gsem, ssem):
    cid = lax.axis_index("c")
    sid = lax.axis_index("s")
    wid = cid * NS + sid
    ones = jnp.full((16,), 1.0, jnp.float32)
    rows = [r0, r1]

    for t, (tab, se, de) in enumerate(
            [(fu, s0, d0), (fu, s1, d1), (fi, s2, d2)]):
        pltpu.sync_copy(zcnt, cnt)
        pltpu.sync_copy(zrows, ssum.at[pl.ds(sid * RPT, RPT)])
        base = pl.multiple_of(wid * EPT, 8)
        pltpu.sync_copy(se.at[pl.ds(base, EPT)], sidx)
        pltpu.sync_copy(de.at[wid], didx)
        plsc.subcore_barrier()

        def gather(c, b):
            return pltpu.make_async_copy(
                tab.at[sidx.at[pl.ds(c * CK, CK)]], rows[b], gsem)

        def scat(c, b):
            return pltpu.make_async_copy(rows[b], ssum.at[didx.at[c]], ssem)

        gather(0, 0).start()

        def group(g, carry):
            for b in range(NB):
                c = g * NB + b
                nb = (b + 1) % NB
                if b == NB - 1:
                    @pl.when(g < GROUPS - 1)
                    def _():
                        gather(c + 1, nb).start()
                else:
                    gather(c + 1, nb).start()
                gather(c, b).wait()
                s = scat(c, b)
                s.start(add=True)
                for j in range(CK // 16):
                    d16 = didx[c, pl.ds(j * 16, 16)]
                    plsc.addupdate_scatter(cnt, [d16], ones)
                s.wait()
            return carry

        lax.fori_loop(0, GROUPS, group, 0)
        plsc.subcore_barrier()
        pltpu.sync_copy(ssum.at[pl.ds(sid * RPT, RPT)],
                        out_sum.at[t, cid, pl.ds(sid * RPT, RPT)])
        oc = [oc0, oc1, oc2][t]
        pltpu.sync_copy(cnt, oc.at[pl.ds(wid * NPAD, NPAD)])


def _sc_scatter(feat_user, feat_item, edges):
    (s0, d0), (s1, d1), (s2, d2) = edges
    zrows = jnp.zeros((RPT, D), jnp.float32)
    zcnt = jnp.zeros((NPAD,), jnp.float32)
    mesh = plsc.VectorSubcoreMesh(core_axis_name="c", subcore_axis_name="s")
    call = pl.kernel(
        _sc_body,
        out_type=(jax.ShapeDtypeStruct((3, NC, NPAD, D), jnp.float32),
                  jax.ShapeDtypeStruct((NW * NPAD,), jnp.float32),
                  jax.ShapeDtypeStruct((NW * NPAD,), jnp.float32),
                  jax.ShapeDtypeStruct((NW * NPAD,), jnp.float32)),
        mesh=mesh,
        compiler_params=pltpu.CompilerParams(needs_layout_passes=False),
        scratch_types=[
            pltpu.VMEM_SHARED((NPAD, D), jnp.float32),
            pltpu.VMEM((EPT,), jnp.int32),
            pltpu.VMEM((CHUNKS, CK), jnp.int32),
            pltpu.VMEM((CK, D), jnp.float32),
            pltpu.VMEM((CK, D), jnp.float32),
            pltpu.VMEM((NPAD,), jnp.float32),
            pltpu.SemaphoreType.DMA,
            pltpu.SemaphoreType.DMA,
        ],
    )
    return call(feat_user, feat_item, s0, d0, s1, d1, s2, d2, zrows, zcnt)


def _comb_body(s_ref, c_ref, wf, bf, wc, bc, wp, bp, hu_ref, hi_ref):
    s = s_ref[...]
    c = jnp.sum(c_ref[...], axis=-1)
    c = c.reshape(3, -1)
    cm = jnp.maximum(c, 1.0)
    mf = (s[0, 0] + s[0, 1]) / cm[0, :, None]
    mc = (s[1, 0] + s[1, 1]) / cm[1, :, None]
    mp = (s[2, 0] + s[2, 1]) / cm[2, :, None]
    hu_ref[...] = (jnp.dot(mf, wf[...], preferred_element_type=jnp.float32)
                   + jnp.dot(mp, wp[...], preferred_element_type=jnp.float32)
                   + jnp.where(c[0, :, None] > 0, bf[...], 0.0)
                   + jnp.where(c[2, :, None] > 0, bp[...], 0.0))
    hi_ref[...] = (jnp.dot(mc, wc[...], preferred_element_type=jnp.float32)
                   + jnp.where(c[1, :, None] > 0, bc[...], 0.0))


def _combine(sums, cnts, Wf, bf, Wc, bc, Wp, bp):
    BR = RPT
    grid = (NPAD // BR,)
    w_spec = pl.BlockSpec((D, D), lambda i: (0, 0))
    b_spec = pl.BlockSpec((1, D), lambda i: (0, 0))
    out = jax.ShapeDtypeStruct((NPAD, D), jnp.float32)
    return pl.pallas_call(
        _comb_body,
        grid=grid,
        in_specs=[pl.BlockSpec((3, NC, BR, D), lambda i: (0, 0, i, 0)),
                  pl.BlockSpec((3, BR // 128, 128, NW), lambda i: (0, i, 0, 0)),
                  w_spec, b_spec, w_spec, b_spec, w_spec, b_spec],
        out_specs=[pl.BlockSpec((BR, D), lambda i: (i, 0)),
                   pl.BlockSpec((BR, D), lambda i: (i, 0))],
        out_shape=[out, out],
    )(sums, cnts, Wf, bf.reshape(1, D), Wc, bc.reshape(1, D),
      Wp, bp.reshape(1, D))


def _prep_edges(e):
    pad = EP - E
    src = jnp.concatenate([e[0].astype(jnp.int32),
                           jnp.zeros((pad,), jnp.int32)])
    junk = N_NODE + jnp.arange(pad, dtype=jnp.int32) % (NPAD - N_NODE)
    dst = jnp.concatenate([e[1].astype(jnp.int32), junk])
    return src, dst.reshape(NW, CHUNKS, CK)


def kernel(feat_user, feat_item, edge_follows, edge_clicks, edge_purchased,
           W_follows, b_follows, W_clicks, b_clicks, W_purchased, b_purchased):
    edges = [_prep_edges(edge_follows), _prep_edges(edge_clicks),
             _prep_edges(edge_purchased)]
    sums, oc0, oc1, oc2 = _sc_scatter(feat_user, feat_item, edges)
    cnts = jnp.stack([oc0, oc1, oc2]).reshape(3, NW, CROWS, 128)
    hu, hi = _combine(sums, cnts.transpose(0, 2, 3, 1), W_follows, b_follows,
                      W_clicks, b_clicks, W_purchased, b_purchased)
    return hu[:N_NODE], hi[:N_NODE]

# --- scband reference (transcript-rebuilt; emitter-appended) ---
"""Pipeline reference for scband-hetero-rgcnlayer-86861418595102 (READ-ONLY COPY).

The authoritative reference and input builder live on the scoring server;
editing this copy changes nothing except your own understanding.
"""

import jax, jax.numpy as jnp
import numpy as np

N_USER = 10000
N_ITEM = 10000
E = 160000
D_IN = 128
D_OUT = 128


def setup_inputs(seed: int = 0) -> dict:
    key = jax.random.key(seed)
    ks = jax.random.split(key, 12)
    feat_user = jax.random.normal(ks[0], (N_USER, D_IN), dtype=jnp.float32)
    feat_item = jax.random.normal(ks[1], (N_ITEM, D_IN), dtype=jnp.float32)
    edge_follows = jax.random.randint(ks[2], (2, E), 0, N_USER)
    edge_clicks = jax.random.randint(ks[3], (2, E), 0, N_USER)  # src<N_USER, dst<N_ITEM (both 10000)
    edge_purchased = jax.random.randint(ks[4], (2, E), 0, N_ITEM)
    W_follows = jax.random.normal(ks[5], (D_IN, D_OUT), dtype=jnp.float32) * 0.05
    b_follows = jnp.zeros((D_OUT,), dtype=jnp.float32)
    W_clicks = jax.random.normal(ks[6], (D_IN, D_OUT), dtype=jnp.float32) * 0.05
    b_clicks = jnp.zeros((D_OUT,), dtype=jnp.float32)
    W_purchased = jax.random.normal(ks[7], (D_IN, D_OUT), dtype=jnp.float32) * 0.05
    b_purchased = jnp.zeros((D_OUT,), dtype=jnp.float32)
    return {
        "feat_user": feat_user,
        "feat_item": feat_item,
        "edge_follows": edge_follows,
        "edge_clicks": edge_clicks,
        "edge_purchased": edge_purchased,
        "W_follows": W_follows,
        "b_follows": b_follows,
        "W_clicks": W_clicks,
        "b_clicks": b_clicks,
        "W_purchased": W_purchased,
        "b_purchased": b_purchased,
    }


def _mean_agg(Wh, edges, num_dst):
    # message: m = Wh[src]; reduce: mean over incoming messages per dst node
    src = edges[0]
    dst = edges[1]
    m = jnp.take(Wh, src, axis=0)
    s = jax.ops.segment_sum(m, dst, num_segments=num_dst)
    cnt = jax.ops.segment_sum(jnp.ones((edges.shape[1],), dtype=Wh.dtype), dst, num_segments=num_dst)
    return s / jnp.maximum(cnt, 1.0)[:, None]


def reference(feat_user, feat_item, edge_follows, edge_clicks, edge_purchased,
              W_follows, b_follows, W_clicks, b_clicks, W_purchased, b_purchased):
    # Per-etype linear transform of source-type features (HeteroRGCNLayer.weight[etype])
    Wh_f = feat_user @ W_follows + b_follows      # src: user
    Wh_c = feat_user @ W_clicks + b_clicks        # src: user
    Wh_p = feat_item @ W_purchased + b_purchased  # src: item
    # multi_update_all with per-etype mean reduce, cross-etype 'sum' aggregation
    h_user = _mean_agg(Wh_f, edge_follows, N_USER) + _mean_agg(Wh_p, edge_purchased, N_USER)
    h_item = _mean_agg(Wh_c, edge_clicks, N_ITEM)
    return (h_user, h_item)

if __name__ == "__main__":
    import jax
    _d = setup_inputs()
    print(jax.jit(kernel)(*tuple(_d.values())))

</pallas_src>

<mosaic_0001>
#map = affine_map<(d0, d1) -> (0, 0)>
#map1 = affine_map<(d0, d1) -> (0)>
#map2 = affine_map<(d0, d1) -> (0, 0, 0)>
#map3 = affine_map<(d0, d1) -> (0, 0, 0, 0)>
module attributes {stable_mosaic.version = 14 : i64} {
  func.func @_sc_body(%arg0: i32, %arg1: i32, %arg2: memref<10000x128xf32, #tpu.memory_space<hbm>>, %arg3: memref<10000x128xf32, #tpu.memory_space<hbm>>, %arg4: memref<165888xi32, #tpu.memory_space<hbm>>, %arg5: memref<32x54x96xi32, #tpu.memory_space<hbm>>, %arg6: memref<165888xi32, #tpu.memory_space<hbm>>, %arg7: memref<32x54x96xi32, #tpu.memory_space<hbm>>, %arg8: memref<165888xi32, #tpu.memory_space<hbm>>, %arg9: memref<32x54x96xi32, #tpu.memory_space<hbm>>, %arg10: memref<640x128xf32, #tpu.memory_space<hbm>>, %arg11: memref<10240xf32, #tpu.memory_space<hbm>>, %arg12: memref<3x2x10240x128xf32, #tpu.memory_space<hbm>>, %arg13: memref<327680xf32, #tpu.memory_space<hbm>>, %arg14: memref<327680xf32, #tpu.memory_space<hbm>>, %arg15: memref<327680xf32, #tpu.memory_space<hbm>>, %arg16: memref<10240x128xf32, #tpu.memory_space<vmem_shared>>, %arg17: memref<5184xi32, #tpu.memory_space<vmem>>, %arg18: memref<54x96xi32, #tpu.memory_space<vmem>>, %arg19: memref<96x128xf32, #tpu.memory_space<vmem>>, %arg20: memref<96x128xf32, #tpu.memory_space<vmem>>, %arg21: memref<10240xf32, #tpu.memory_space<vmem>>, %arg22: memref<!tpu.dma_semaphore, #tpu.memory_space<semaphore_mem>>, %arg23: memref<!tpu.dma_semaphore, #tpu.memory_space<semaphore_mem>>) attributes {dimension_semantics = [#tpu.dimension_semantics<core_parallel>, #tpu.dimension_semantics<subcore_parallel>], iteration_bounds = array<i64: 2, 16>, scalar_prefetch = 0 : i64, scratch_operands = 8 : i64, tpu.core_type = #tpu.core_type<sc_vector_subcore>, window_params = [{transform_indices = #map}, {transform_indices = #map}, {transform_indices = #map1}, {transform_indices = #map2}, {transform_indices = #map1}, {transform_indices = #map2}, {transform_indices = #map1}, {transform_indices = #map2}, {transform_indices = #map}, {transform_indices = #map1}, {transform_indices = #map3}, {transform_indices = #map1}, {transform_indices = #map1}, {transform_indices = #map1}]} {
    %mul3A = arith.constant 16 : i32
    %mul3A_0 = arith.muli %arg0, %mul3A : i32
    %add3A = arith.addi %mul3A_0, %arg1 : i32
    %broadcast_in_dim3A = arith.constant 1.000000e+00 : f32
    %broadcast_in_dim3A_1 = vector.broadcast %broadcast_in_dim3A : f32 to vector<16xf32>
    "tpu.region"() ({
      %run_scoped3A_72 = tpu.sem_alloc : memref<!tpu.dma_semaphore, #tpu.memory_space<semaphore_mem>>
      tpu.enqueue_dma source(%arg11 : memref<10240xf32, #tpu.memory_space<hbm>>) target(%arg21 : memref<10240xf32, #tpu.memory_space<vmem>>) target_semaphore(%run_scoped3A_72 : memref<!tpu.dma_semaphore, #tpu.memory_space<semaphore_mem>>)
      tpu.wait_dma2 semaphore(%run_scoped3A_72 : memref<!tpu.dma_semaphore, #tpu.memory_space<semaphore_mem>>) src(%arg11 : memref<10240xf32, #tpu.memory_space<hbm>>) dst(%arg21 : memref<10240xf32, #tpu.memory_space<vmem>>)
      tpu.yield
    }) : () -> ()
    %mul3A_2 = arith.constant 640 : i32
    %mul3A_3 = arith.muli %arg1, %mul3A_2 : i32
    "tpu.region"() ({
      %run_scoped3A_72 = tpu.sem_alloc : memref<!tpu.dma_semaphore, #tpu.memory_space<semaphore_mem>>
      %dma_start3A_73 = arith.constant 0 : i32
      %dma_start3A_74 = tpu.memref_slice %arg16[%mul3A_3, %dma_start3A_73] : memref<10240x128xf32, #tpu.memory_space<vmem_shared>> -> memref<640x128xf32, #tpu.memory_space<vmem_shared>>
      tpu.enqueue_dma source(%arg10 : memref<640x128xf32, #tpu.memory_space<hbm>>) target(%dma_start3A_74 : memref<640x128xf32, #tpu.memory_space<vmem_shared>>) target_semaphore(%run_scoped3A_72 : memref<!tpu.dma_semaphore, #tpu.memory_space<semaphore_mem>>)
      %dma_wait3A = arith.constant 0 : i32
      %dma_wait3A_75 = tpu.memref_slice %arg16[%mul3A_3, %dma_wait3A] : memref<10240x128xf32, #tpu.memory_space<vmem_shared>> -> memref<640x128xf32, #tpu.memory_space<vmem_shared>>
      tpu.wait_dma2 semaphore(%run_scoped3A_72 : memref<!tpu.dma_semaphore, #tpu.memory_space<semaphore_mem>>) src(%arg10 : memref<640x128xf32, #tpu.memory_space<hbm>>) dst(%dma_wait3A_75 : memref<640x128xf32, #tpu.memory_space<vmem_shared>>)
      tpu.yield
    }) : () -> ()
    %mul3A_4 = arith.constant 5184 : i32
    %mul3A_5 = arith.muli %add3A, %mul3A_4 : i32
    %multiple_of3A = tpu.assume_multiple %mul3A_5, 8 : i32
    "tpu.region"() ({
      %run_scoped3A_72 = tpu.sem_alloc : memref<!tpu.dma_semaphore, #tpu.memory_space<semaphore_mem>>
      %dma_start3A_73 = tpu.memref_slice %arg4[%multiple_of3A] : memref<165888xi32, #tpu.memory_space<hbm>> -> memref<5184xi32, #tpu.memory_space<hbm>>
      %dma_start3A_74 = tpu.memref_slice %arg4[%multiple_of3A] : memref<165888xi32, #tpu.memory_space<hbm>> -> memref<5184xi32, #tpu.memory_space<hbm>>
      tpu.enqueue_dma source(%dma_start3A_74 : memref<5184xi32, #tpu.memory_space<hbm>>) target(%arg17 : memref<5184xi32, #tpu.memory_space<vmem>>) target_semaphore(%run_scoped3A_72 : memref<!tpu.dma_semaphore, #tpu.memory_space<semaphore_mem>>)
      %dma_wait3A = tpu.memref_slice %arg4[%multiple_of3A] : memref<165888xi32, #tpu.memory_space<hbm>> -> memref<5184xi32, #tpu.memory_space<hbm>>
      %dma_wait3A_75 = tpu.memref_slice %arg4[%multiple_of3A] : memref<165888xi32, #tpu.memory_space<hbm>> -> memref<5184xi32, #tpu.memory_space<hbm>>
      tpu.wait_dma2 semaphore(%run_scoped3A_72 : memref<!tpu.dma_semaphore, #tpu.memory_space<semaphore_mem>>) src(%dma_wait3A_75 : memref<5184xi32, #tpu.memory_space<hbm>>) dst(%arg17 : memref<5184xi32, #tpu.memory_space<vmem>>)
      tpu.yield
    }) : () -> ()
    "tpu.region"() ({
      %run_scoped3A_72 = tpu.sem_alloc : memref<!tpu.dma_semaphore, #tpu.memory_space<semaphore_mem>>
      %dma_start3A_73 = arith.constant 0 : i32
      %dma_start3A_74 = arith.constant 0 : i32
      %dma_start3A_75 = tpu.memref_slice %arg5[%add3A, %dma_start3A_73, %dma_start3A_74] : memref<32x54x96xi32, #tpu.memory_space<hbm>> -> memref<1x54x96xi32, #tpu.memory_space<hbm>>
      %dma_start3A_76 = tpu.memref_squeeze %dma_start3A_75 : memref<1x54x96xi32, #tpu.memory_space<hbm>> -> memref<54x96xi32, #tpu.memory_space<hbm>>
      %dma_start3A_77 = arith.constant 0 : i32
      %dma_start3A_78 = arith.constant 0 : i32
      %dma_start3A_79 = tpu.memref_slice %arg5[%add3A, %dma_start3A_77, %dma_start3A_78] : memref<32x54x96xi32, #tpu.memory_space<hbm>> -> memref<1x54x96xi32, #tpu.memory_space<hbm>>
      %dma_start3A_80 = tpu.memref_squeeze %dma_start3A_79 : memref<1x54x96xi32, #tpu.memory_space<hbm>> -> memref<54x96xi32, #tpu.memory_space<hbm>>
      tpu.enqueue_dma source(%dma_start3A_80 : memref<54x96xi32, #tpu.memory_space<hbm>>) target(%arg18 : memref<54x96xi32, #tpu.memory_space<vmem>>) target_semaphore(%run_scoped3A_72 : memref<!tpu.dma_semaphore, #tpu.memory_space<semaphore_mem>>)
      %dma_wait3A = arith.constant 0 : i32
      %dma_wait3A_81 = arith.constant 0 : i32
      %dma_wait3A_82 = tpu.memref_slice %arg5[%add3A, %dma_wait3A, %dma_wait3A_81] : memref<32x54x96xi32, #tpu.memory_space<hbm>> -> memref<1x54x96xi32, #tpu.memory_space<hbm>>
      %dma_wait3A_83 = tpu.memref_squeeze %dma_wait3A_82 : memref<1x54x96xi32, #tpu.memory_space<hbm>> -> memref<54x96xi32, #tpu.memory_space<hbm>>
      %dma_wait3A_84 = arith.constant 0 : i32
      %dma_wait3A_85 = arith.constant 0 : i32
      %dma_wait3A_86 = tpu.memref_slice %arg5[%add3A, %dma_wait3A_84, %dma_wait3A_85] : memref<32x54x96xi32, #tpu.memory_space<hbm>> -> memref<1x54x96xi32, #tpu.memory_space<hbm>>
      %dma_wait3A_87 = tpu.memref_squeeze %dma_wait3A_86 : memref<1x54x96xi32, #tpu.memory_space<hbm>> -> memref<54x96xi32, #tpu.memory_space<hbm>>
      tpu.wait_dma2 semaphore(%run_scoped3A_72 : memref<!tpu.dma_semaphore, #tpu.memory_space<semaphore_mem>>) src(%dma_wait3A_87 : memref<54x96xi32, #tpu.memory_space<hbm>>) dst(%arg18 : memref<54x96xi32, #tpu.memory_space<vmem>>)
      tpu.yield
    }) : () -> ()
    %barrier3A = arith.constant 0 : index
    tpu.barrier barrier_id(%barrier3A)
    %dma_start3A = arith.constant 0 : i32
    %dma_start3A_6 = tpu.memref_slice %arg17[%dma_start3A] : memref<5184xi32, #tpu.memory_space<vmem>> -> memref<96xi32, #tpu.memory_space<vmem>>
    %dma_start3A_7 = arith.constant 0 : i32
    %dma_start3A_8 = arith.constant 0 : i32
    %dma_start3A_9 = tpu.memref_slice %arg2[%dma_start3A_7, %dma_start3A_8] : memref<10000x128xf32, #tpu.memory_space<hbm>> -> memref<10000x128xf32, #tpu.memory_space<hbm>>
    tpu.enqueue_indirect_dma source(%dma_start3A_9 : memref<10000x128xf32, #tpu.memory_space<hbm>>) target(%arg19 : memref<96x128xf32, #tpu.memory_space<vmem>>) offsets(%dma_start3A_6 : memref<96xi32, #tpu.memory_space<vmem>>) semaphore(%arg22 : memref<!tpu.dma_semaphore, #tpu.memory_space<semaphore_mem>>)
    %scan3A = arith.constant 0 : i32
    %scan3A_10 = arith.constant 0 : i32
    %scan3A_11 = arith.constant 27 : i32
    %scan3A_12 = arith.addi %scan3A_10, %scan3A_11 : i32
    %scan3A_13 = arith.constant 1 : i32
    scf.for %scan3A_72 = %scan3A_10 to %scan3A_12 step %scan3A_13  : i32 {
      %mul3A_73 = arith.constant 2 : i32
      %mul3A_74 = arith.muli %scan3A_72, %mul3A_73 : i32
      %add3A_75 = arith.constant 0 : i32
      %add3A_76 = arith.addi %mul3A_74, %add3A_75 : i32
      %add3A_77 = arith.constant 1 : i32
      %add3A_78 = arith.addi %add3A_76, %add3A_77 : i32
      %mul3A_79 = arith.constant 96 : i32
      %mul3A_80 = arith.muli %add3A_78, %mul3A_79 : i32
      %dma_start3A_81 = tpu.memref_slice %arg17[%mul3A_80] : memref<5184xi32, #tpu.memory_space<vmem>> -> memref<96xi32, #tpu.memory_space<vmem>>
      %dma_start3A_82 = arith.constant 0 : i32
      %dma_start3A_83 = arith.constant 0 : i32
      %dma_start3A_84 = tpu.memref_slice %arg2[%dma_start3A_82, %dma_start3A_83] : memref<10000x128xf32, #tpu.memory_space<hbm>> -> memref<10000x128xf32, #tpu.memory_space<hbm>>
      tpu.enqueue_indirect_dma source(%dma_start3A_84 : memref<10000x128xf32, #tpu.memory_space<hbm>>) target(%arg20 : memref<96x128xf32, #tpu.memory_space<vmem>>) offsets(%dma_start3A_81 : memref<96xi32, #tpu.memory_space<vmem>>) semaphore(%arg22 : memref<!tpu.dma_semaphore, #tpu.memory_space<semaphore_mem>>)
      %mul3A_85 = arith.constant 96 : i32
      %mul3A_86 = arith.muli %add3A_76, %mul3A_85 : i32
      %dma_wait3A = tpu.memref_slice %arg17[%mul3A_86] : memref<5184xi32, #tpu.memory_space<vmem>> -> memref<96xi32, #tpu.memory_space<vmem>>
      %dma_wait3A_87 = arith.constant 0 : i32
      %dma_wait3A_88 = arith.constant 0 : i32
      %dma_wait3A_89 = tpu.memref_slice %arg2[%dma_wait3A_87, %dma_wait3A_88] : memref<10000x128xf32, #tpu.memory_space<hbm>> -> memref<10000x128xf32, #tpu.memory_space<hbm>>
      tpu.wait_indirect_dma semaphore(%arg22 : memref<!tpu.dma_semaphore, #tpu.memory_space<semaphore_mem>>) src(%dma_wait3A_89 : memref<10000x128xf32, #tpu.memory_space<hbm>>) dst(%arg19 : memref<96x128xf32, #tpu.memory_space<vmem>>)
      %dma_start3A_90 = arith.constant 0 : i32
      %dma_start3A_91 = tpu.memref_slice %arg18[%add3A_76, %dma_start3A_90] : memref<54x96xi32, #tpu.memory_space<vmem>> -> memref<1x96xi32, #tpu.memory_space<vmem>>
      %dma_start3A_92 = tpu.memref_squeeze %dma_start3A_91 : memref<1x96xi32, #tpu.memory_space<vmem>> -> memref<96xi32, #tpu.memory_space<vmem>>
      %dma_start3A_93 = arith.constant 0 : i32
      %dma_start3A_94 = arith.constant 0 : i32
      %dma_start3A_95 = tpu.memref_slice %arg16[%dma_start3A_93, %dma_start3A_94] : memref<10240x128xf32, #tpu.memory_space<vmem_shared>> -> memref<10240x128xf32, #tpu.memory_space<vmem_shared>>
      tpu.enqueue_indirect_dma source(%arg19 : memref<96x128xf32, #tpu.memory_space<vmem>>) target(%dma_start3A_95 : memref<10240x128xf32, #tpu.memory_space<vmem_shared>>) offsets(%dma_start3A_92 : memref<96xi32, #tpu.memory_space<vmem>>) semaphore(%arg23 : memref<!tpu.dma_semaphore, #tpu.memory_space<semaphore_mem>>) {add = true}
      %get3A = arith.index_cast %add3A_76 : i32 to index
      %get3A_96 = arith.constant 0 : index
      %get3A_97 = tpu.vector_load %arg18[%get3A, %get3A_96] {strides = array<i32>} : memref<54x96xi32, #tpu.memory_space<vmem>>, vector<16xi32>,
      tpu.vector_store_idx %arg21[%get3A_97], %broadcast_in_dim3A_1 {add = true} : memref<10240xf32, #tpu.memory_space<vmem>>[vector<16xi32>], vector<16xf32>,
      %get3A_98 = arith.index_cast %add3A_76 : i32 to index
      %get3A_99 = arith.constant 16 : index
      %get3A_100 = tpu.vector_load %arg18[%get3A_98, %get3A_99] {strides = array<i32>} : memref<54x96xi32, #tpu.memory_space<vmem>>, vector<16xi32>,
      tpu.vector_store_idx %arg21[%get3A_100], %broadcast_in_dim3A_1 {add = true} : memref<10240xf32, #tpu.memory_space<vmem>>[vector<16xi32>], vector<16xf32>,
      %get3A_101 = arith.index_cast %add3A_76 : i32 to index
      %get3A_102 = arith.constant 32 : index
      %get3A_103 = tpu.vector_load %arg18[%get3A_101, %get3A_102] {strides = array<i32>} : memref<54x96xi32, #tpu.memory_space<vmem>>, vector<16xi32>,
      tpu.vector_store_idx %arg21[%get3A_103], %broadcast_in_dim3A_1 {add = true} : memref<10240xf32, #tpu.memory_space<vmem>>[vector<16xi32>], vector<16xf32>,
      %get3A_104 = arith.index_cast %add3A_76 : i32 to index
      %get3A_105 = arith.constant 48 : index
      %get3A_106 = tpu.vector_load %arg18[%get3A_104, %get3A_105] {strides = array<i32>} : memref<54x96xi32, #tpu.memory_space<vmem>>, vector<16xi32>,
      tpu.vector_store_idx %arg21[%get3A_106], %broadcast_in_dim3A_1 {add = true} : memref<10240xf32, #tpu.memory_space<vmem>>[vector<16xi32>], vector<16xf32>,
      %get3A_107 = arith.index_cast %add3A_76 : i32 to index
      %get3A_108 = arith.constant 64 : index
      %get3A_109 = tpu.vector_load %arg18[%get3A_107, %get3A_108] {strides = array<i32>} : memref<54x96xi32, #tpu.memory_space<vmem>>, vector<16xi32>,
      tpu.vector_store_idx %arg21[%get3A_109], %broadcast_in_dim3A_1 {add = true} : memref<10240xf32, #tpu.memory_space<vmem>>[vector<16xi32>], vector<16xf32>,
      %get3A_110 = arith.index_cast %add3A_76 : i32 to index
      %get3A_111 = arith.constant 80 : index
      %get3A_112 = tpu.vector_load %arg18[%get3A_110, %get3A_111] {strides = array<i32>} : memref<54x96xi32, #tpu.memory_space<vmem>>, vector<16xi32>,
      tpu.vector_store_idx %arg21[%get3A_112], %broadcast_in_dim3A_1 {add = true} : memref<10240xf32, #tpu.memory_space<vmem>>[vector<16xi32>], vector<16xf32>,
      %dma_wait3A_113 = arith.constant 0 : i32
      %dma_wait3A_114 = tpu.memref_slice %arg18[%add3A_76, %dma_wait3A_113] : memref<54x96xi32, #tpu.memory_space<vmem>> -> memref<1x96xi32, #tpu.memory_space<vmem>>
      %dma_wait3A_115 = tpu.memref_squeeze %dma_wait3A_114 : memref<1x96xi32, #tpu.memory_space<vmem>> -> memref<96xi32, #tpu.memory_space<vmem>>
      %dma_wait3A_116 = arith.constant 0 : i32
      %dma_wait3A_117 = arith.constant 0 : i32
      %dma_wait3A_118 = tpu.memref_slice %arg16[%dma_wait3A_116, %dma_wait3A_117] : memref<10240x128xf32, #tpu.memory_space<vmem_shared>> -> memref<10240x128xf32, #tpu.memory_space<vmem_shared>>
      tpu.wait_indirect_dma semaphore(%arg23 : memref<!tpu.dma_semaphore, #tpu.memory_space<semaphore_mem>>) src(%arg19 : memref<96x128xf32, #tpu.memory_space<vmem>>) dst(%dma_wait3A_118 : memref<10240x128xf32, #tpu.memory_space<vmem_shared>>)
      %mul3A_119 = arith.constant 2 : i32
      %mul3A_120 = arith.muli %scan3A_72, %mul3A_119 : i32
      %add3A_121 = arith.constant 1 : i32
      %add3A_122 = arith.addi %mul3A_120, %add3A_121 : i32
      %lt3A = arith.constant 26 : i32
      %lt3A_123 = arith.cmpi slt, %scan3A_72, %lt3A : i32
      %convert_element_type3A = arith.extui %lt3A_123 : i1 to i32
      %cond3A = arith.constant 0 : i32
      %cond3A_124 = arith.cmpi ne, %convert_element_type3A, %cond3A : i32
      scf.if %cond3A_124 {
        %add3A_161 = arith.constant 1 : i32
        %add3A_162 = arith.addi %add3A_122, %add3A_161 : i32
        %mul3A_163 = arith.constant 96 : i32
        %mul3A_164 = arith.muli %add3A_162, %mul3A_163 : i32
        %dma_start3A_165 = tpu.memref_slice %arg17[%mul3A_164] : memref<5184xi32, #tpu.memory_space<vmem>> -> memref<96xi32, #tpu.memory_space<vmem>>
        %dma_start3A_166 = arith.constant 0 : i32
        %dma_start3A_167 = arith.constant 0 : i32
        %dma_start3A_168 = tpu.memref_slice %arg2[%dma_start3A_166, %dma_start3A_167] : memref<10000x128xf32, #tpu.memory_space<hbm>> -> memref<10000x128xf32, #tpu.memory_space<hbm>>
        tpu.enqueue_indirect_dma source(%dma_start3A_168 : memref<10000x128xf32, #tpu.memory_space<hbm>>) target(%arg19 : memref<96x128xf32, #tpu.memory_space<vmem>>) offsets(%dma_start3A_165 : memref<96xi32, #tpu.memory_space<vmem>>) semaphore(%arg22 : memref<!tpu.dma_semaphore, #tpu.memory_space<semaphore_mem>>)
      } else {
      }
      %mul3A_125 = arith.constant 96 : i32
      %mul3A_126 = arith.muli %add3A_122, %mul3A_125 : i32
      %dma_wait3A_127 = tpu.memref_slice %arg17[%mul3A_126] : memref<5184xi32, #tpu.memory_space<vmem>> -> memref<96xi32, #tpu.memory_space<vmem>>
      %dma_wait3A_128 = arith.constant 0 : i32
      %dma_wait3A_129 = arith.constant 0 : i32
      %dma_wait3A_130 = tpu.memref_slice %arg2[%dma_wait3A_128, %dma_wait3A_129] : memref<10000x128xf32, #tpu.memory_space<hbm>> -> memref<10000x128xf32, #tpu.memory_space<hbm>>
      tpu.wait_indirect_dma semaphore(%arg22 : memref<!tpu.dma_semaphore, #tpu.memory_space<semaphore_mem>>) src(%dma_wait3A_130 : memref<10000x128xf32, #tpu.memory_space<hbm>>) dst(%arg20 : memref<96x128xf32, #tpu.memory_space<vmem>>)
      %dma_start3A_131 = arith.constant 0 : i32
      %dma_start3A_132 = tpu.memref_slice %arg18[%add3A_122, %dma_start3A_131] : memref<54x96xi32, #tpu.memory_space<vmem>> -> memref<1x96xi32, #tpu.memory_space<vmem>>
      %dma_start3A_133 = tpu.memref_squeeze %dma_start3A_132 : memref<1x96xi32, #tpu.memory_space<vmem>> -> memref<96xi32, #tpu.memory_space<vmem>>
      %dma_start3A_134 = arith.constant 0 : i32
      %dma_start3A_135 = arith.constant 0 : i32
      %dma_start3A_136 = tpu.memref_slice %arg16[%dma_start3A_134, %dma_start3A_135] : memref<10240x128xf32, #tpu.memory_space<vmem_shared>> -> memref<10240x128xf32, #tpu.memory_space<vmem_shared>>
      tpu.enqueue_indirect_dma source(%arg20 : memref<96x128xf32, #tpu.memory_space<vmem>>) target(%dma_start3A_136 : memref<10240x128xf32, #tpu.memory_space<vmem_shared>>) offsets(%dma_start3A_133 : memref<96xi32, #tpu.memory_space<vmem>>) semaphore(%arg23 : memref<!tpu.dma_semaphore, #tpu.memory_space<semaphore_mem>>) {add = true}
      %get3A_137 = arith.index_cast %add3A_122 : i32 to index
      %get3A_138 = arith.constant 0 : index
      %get3A_139 = tpu.vector_load %arg18[%get3A_137, %get3A_138] {strides = array<i32>} : memref<54x96xi32, #tpu.memory_space<vmem>>, vector<16xi32>,
      tpu.vector_store_idx %arg21[%get3A_139], %broadcast_in_dim3A_1 {add = true} : memref<10240xf32, #tpu.memory_space<vmem>>[vector<16xi32>], vector<16xf32>,
      %get3A_140 = arith.index_cast %add3A_122 : i32 to index
      %get3A_141 = arith.constant 16 : index
      %get3A_142 = tpu.vector_load %arg18[%get3A_140, %get3A_141] {strides = array<i32>} : memref<54x96xi32, #tpu.memory_space<vmem>>, vector<16xi32>,
      tpu.vector_store_idx %arg21[%get3A_142], %broadcast_in_dim3A_1 {add = true} : memref<10240xf32, #tpu.memory_space<vmem>>[vector<16xi32>], vector<16xf32>,
      %get3A_143 = arith.index_cast %add3A_122 : i32 to index
      %get3A_144 = arith.constant 32 : index
      %get3A_145 = tpu.vector_load %arg18[%get3A_143, %get3A_144] {strides = array<i32>} : memref<54x96xi32, #tpu.memory_space<vmem>>, vector<16xi32>,
      tpu.vector_store_idx %arg21[%get3A_145], %broadcast_in_dim3A_1 {add = true} : memref<10240xf32, #tpu.memory_space<vmem>>[vector<16xi32>], vector<16xf32>,
      %get3A_146 = arith.index_cast %add3A_122 : i32 to index
      %get3A_147 = arith.constant 48 : index
      %get3A_148 = tpu.vector_load %arg18[%get3A_146, %get3A_147] {strides = array<i32>} : memref<54x96xi32, #tpu.memory_space<vmem>>, vector<16xi32>,
      tpu.vector_store_idx %arg21[%get3A_148], %broadcast_in_dim3A_1 {add = true} : memref<10240xf32, #tpu.memory_space<vmem>>[vector<16xi32>], vector<16xf32>,
      %get3A_149 = arith.index_cast %add3A_122 : i32 to index
      %get3A_150 = arith.constant 64 : index
      %get3A_151 = tpu.vector_load %arg18[%get3A_149, %get3A_150] {strides = array<i32>} : memref<54x96xi32, #tpu.memory_space<vmem>>, vector<16xi32>,
      tpu.vector_store_idx %arg21[%get3A_151], %broadcast_in_dim3A_1 {add = true} : memref<10240xf32, #tpu.memory_space<vmem>>[vector<16xi32>], vector<16xf32>,
      %get3A_152 = arith.index_cast %add3A_122 : i32 to index
      %get3A_153 = arith.constant 80 : index
      %get3A_154 = tpu.vector_load %arg18[%get3A_152, %get3A_153] {strides = array<i32>} : memref<54x96xi32, #tpu.memory_space<vmem>>, vector<16xi32>,
      tpu.vector_store_idx %arg21[%get3A_154], %broadcast_in_dim3A_1 {add = true} : memref<10240xf32, #tpu.memory_space<vmem>>[vector<16xi32>], vector<16xf32>,
      %dma_wait3A_155 = arith.constant 0 : i32
      %dma_wait3A_156 = tpu.memref_slice %arg18[%add3A_122, %dma_wait3A_155] : memref<54x96xi32, #tpu.memory_space<vmem>> -> memref<1x96xi32, #tpu.memory_space<vmem>>
      %dma_wait3A_157 = tpu.memref_squeeze %dma_wait3A_156 : memref<1x96xi32, #tpu.memory_space<vmem>> -> memref<96xi32, #tpu.memory_space<vmem>>
      %dma_wait3A_158 = arith.constant 0 : i32
      %dma_wait3A_159 = arith.constant 0 : i32
      %dma_wait3A_160 = tpu.memref_slice %arg16[%dma_wait3A_158, %dma_wait3A_159] : memref<10240x128xf32, #tpu.memory_space<vmem_shared>> -> memref<10240x128xf32, #tpu.memory_space<vmem_shared>>
      tpu.wait_indirect_dma semaphore(%arg23 : memref<!tpu.dma_semaphore, #tpu.memory_space<semaphore_mem>>) src(%arg20 : memref<96x128xf32, #tpu.memory_space<vmem>>) dst(%dma_wait3A_160 : memref<10240x128xf32, #tpu.memory_space<vmem_shared>>)
    }
    %scan3A_14 = arith.constant 27 : i32
    %barrier3A_15 = arith.constant 0 : index
    tpu.barrier barrier_id(%barrier3A_15)
    %mul3A_16 = arith.constant 640 : i32
    %mul3A_17 = arith.muli %arg1, %mul3A_16 : i32
    %mul3A_18 = arith.constant 640 : i32
    %mul3A_19 = arith.muli %arg1, %mul3A_18 : i32
    %run_scoped3A = arith.constant 0 : i32
    "tpu.region"() ({
      %run_scoped3A_72 = tpu.sem_alloc : memref<!tpu.dma_semaphore, #tpu.memory_space<semaphore_mem>>
      %dma_start3A_73 = arith.constant 0 : i32
      %dma_start3A_74 = tpu.memref_slice %arg12[%run_scoped3A, %arg0, %mul3A_19, %dma_start3A_73] : memref<3x2x10240x128xf32, #tpu.memory_space<hbm>> -> memref<1x1x640x128xf32, #tpu.memory_space<hbm>>
      %dma_start3A_75 = tpu.memref_squeeze %dma_start3A_74 : memref<1x1x640x128xf32, #tpu.memory_space<hbm>> -> memref<640x128xf32, #tpu.memory_space<hbm>>
      %dma_start3A_76 = arith.constant 0 : i32
      %dma_start3A_77 = tpu.memref_slice %arg16[%mul3A_17, %dma_start3A_76] : memref<10240x128xf32, #tpu.memory_space<vmem_shared>> -> memref<640x128xf32, #tpu.memory_space<vmem_shared>>
      tpu.enqueue_dma source(%dma_start3A_77 : memref<640x128xf32, #tpu.memory_space<vmem_shared>>) target(%dma_start3A_75 : memref<640x128xf32, #tpu.memory_space<hbm>>) target_semaphore(%run_scoped3A_72 : memref<!tpu.dma_semaphore, #tpu.memory_space<semaphore_mem>>)
      %dma_wait3A = arith.constant 0 : i32
      %dma_wait3A_78 = tpu.memref_slice %arg12[%run_scoped3A, %arg0, %mul3A_19, %dma_wait3A] : memref<3x2x10240x128xf32, #tpu.memory_space<hbm>> -> memref<1x1x640x128xf32, #tpu.memory_space<hbm>>
      %dma_wait3A_79 = tpu.memref_squeeze %dma_wait3A_78 : memref<1x1x640x128xf32, #tpu.memory_space<hbm>> -> memref<640x128xf32, #tpu.memory_space<hbm>>
      %dma_wait3A_80 = arith.constant 0 : i32
      %dma_wait3A_81 = tpu.memref_slice %arg16[%mul3A_17, %dma_wait3A_80] : memref<10240x128xf32, #tpu.memory_space<vmem_shared>> -> memref<640x128xf32, #tpu.memory_space<vmem_shared>>
      tpu.wait_dma2 semaphore(%run_scoped3A_72 : memref<!tpu.dma_semaphore, #tpu.memory_space<semaphore_mem>>) src(%dma_wait3A_81 : memref<640x128xf32, #tpu.memory_space<vmem_shared>>) dst(%dma_wait3A_79 : memref<640x128xf32, #tpu.memory_space<hbm>>)
      tpu.yield
    }) : () -> ()
    %mul3A_20 = arith.constant 10240 : i32
    %mul3A_21 = arith.muli %add3A, %mul3A_20 : i32
    "tpu.region"() ({
      %run_scoped3A_72 = tpu.sem_alloc : memref<!tpu.dma_semaphore, #tpu.memory_space<semaphore_mem>>
      %dma_start3A_73 = tpu.memref_slice %arg13[%mul3A_21] : memref<327680xf32, #tpu.memory_space<hbm>> -> memref<10240xf32, #tpu.memory_space<hbm>>
      %dma_start3A_74 = tpu.memref_slice %arg13[%mul3A_21] : memref<327680xf32, #tpu.memory_space<hbm>> -> memref<10240xf32, #tpu.memory_space<hbm>>
      tpu.enqueue_dma source(%arg21 : memref<10240xf32, #tpu.memory_space<vmem>>) target(%dma_start3A_74 : memref<10240xf32, #tpu.memory_space<hbm>>) target_semaphore(%run_scoped3A_72 : memref<!tpu.dma_semaphore, #tpu.memory_space<semaphore_mem>>)
      %dma_wait3A = tpu.memref_slice %arg13[%mul3A_21] : memref<327680xf32, #tpu.memory_space<hbm>> -> memref<10240xf32, #tpu.memory_space<hbm>>
      %dma_wait3A_75 = tpu.memref_slice %arg13[%mul3A_21] : memref<327680xf32, #tpu.memory_space<hbm>> -> memref<10240xf32, #tpu.memory_space<hbm>>
      tpu.wait_dma2 semaphore(%run_scoped3A_72 : memref<!tpu.dma_semaphore, #tpu.memory_space<semaphore_mem>>) src(%arg21 : memref<10240xf32, #tpu.memory_space<vmem>>) dst(%dma_wait3A_75 : memref<10240xf32, #tpu.memory_space<hbm>>)
      tpu.yield
    }) : () -> ()
    "tpu.region"() ({
      %run_scoped3A_72 = tpu.sem_alloc : memref<!tpu.dma_semaphore, #tpu.memory_space<semaphore_mem>>
      tpu.enqueue_dma source(%arg11 : memref<10240xf32, #tpu.memory_space<hbm>>) target(%arg21 : memref<10240xf32, #tpu.memory_space<vmem>>) target_semaphore(%run_scoped3A_72 : memref<!tpu.dma_semaphore, #tpu.memory_space<semaphore_mem>>)
      tpu.wait_dma2 semaphore(%run_scoped3A_72 : memref<!tpu.dma_semaphore, #tpu.memory_space<semaphore_mem>>) src(%arg11 : memref<10240xf32, #tpu.memory_space<hbm>>) dst(%arg21 : memref<10240xf32, #tpu.memory_space<vmem>>)
      tpu.yield
    }) : () -> ()
    %mul3A_22 = arith.constant 640 : i32
    %mul3A_23 = arith.muli %arg1, %mul3A_22 : i32
    "tpu.region"() ({
      %run_scoped3A_72 = tpu.sem_alloc : memref<!tpu.dma_semaphore, #tpu.memory_space<semaphore_mem>>
      %dma_start3A_73 = arith.constant 0 : i32
      %dma_start3A_74 = tpu.memref_slice %arg16[%mul3A_23, %dma_start3A_73] : memref<10240x128xf32, #tpu.memory_space<vmem_shared>> -> memref<640x128xf32, #tpu.memory_space<vmem_shared>>
      tpu.enqueue_dma source(%arg10 : memref<640x128xf32, #tpu.memory_space<hbm>>) target(%dma_start3A_74 : memref<640x128xf32, #tpu.memory_space<vmem_shared>>) target_semaphore(%run_scoped3A_72 : memref<!tpu.dma_semaphore, #tpu.memory_space<semaphore_mem>>)
      %dma_wait3A = arith.constant 0 : i32
      %dma_wait3A_75 = tpu.memref_slice %arg16[%mul3A_23, %dma_wait3A] : memref<10240x128xf32, #tpu.memory_space<vmem_shared>> -> memref<640x128xf32, #tpu.memory_space<vmem_shared>>
      tpu.wait_dma2 semaphore(%run_scoped3A_72 : memref<!tpu.dma_semaphore, #tpu.memory_space<semaphore_mem>>) src(%arg10 : memref<640x128xf32, #tpu.memory_space<hbm>>) dst(%dma_wait3A_75 : memref<640x128xf32, #tpu.memory_space<vmem_shared>>)
      tpu.yield
    }) : () -> ()
    %mul3A_24 = arith.constant 5184 : i32
    %mul3A_25 = arith.muli %add3A, %mul3A_24 : i32
    %multiple_of3A_26 = tpu.assume_multiple %mul3A_25, 8 : i32
    "tpu.region"() ({
      %run_scoped3A_72 = tpu.sem_alloc : memref<!tpu.dma_semaphore, #tpu.memory_space<semaphore_mem>>
      %dma_start3A_73 = tpu.memref_slice %arg6[%multiple_of3A_26] : memref<165888xi32, #tpu.memory_space<hbm>> -> memref<5184xi32, #tpu.memory_space<hbm>>
      %dma_start3A_74 = tpu.memref_slice %arg6[%multiple_of3A_26] : memref<165888xi32, #tpu.memory_space<hbm>> -> memref<5184xi32, #tpu.memory_space<hbm>>
      tpu.enqueue_dma source(%dma_start3A_74 : memref<5184xi32, #tpu.memory_space<hbm>>) target(%arg17 : memref<5184xi32, #tpu.memory_space<vmem>>) target_semaphore(%run_scoped3A_72 : memref<!tpu.dma_semaphore, #tpu.memory_space<semaphore_mem>>)
      %dma_wait3A = tpu.memref_slice %arg6[%multiple_of3A_26] : memref<165888xi32, #tpu.memory_space<hbm>> -> memref<5184xi32, #tpu.memory_space<hbm>>
      %dma_wait3A_75 = tpu.memref_slice %arg6[%multiple_of3A_26] : memref<165888xi32, #tpu.memory_space<hbm>> -> memref<5184xi32, #tpu.memory_space<hbm>>
      tpu.wait_dma2 semaphore(%run_scoped3A_72 : memref<!tpu.dma_semaphore, #tpu.memory_space<semaphore_mem>>) src(%dma_wait3A_75 : memref<5184xi32, #tpu.memory_space<hbm>>) dst(%arg17 : memref<5184xi32, #tpu.memory_space<vmem>>)
      tpu.yield
    }) : () -> ()
    "tpu.region"() ({
      %run_scoped3A_72 = tpu.sem_alloc : memref<!tpu.dma_semaphore, #tpu.memory_space<semaphore_mem>>
      %dma_start3A_73 = arith.constant 0 : i32
      %dma_start3A_74 = arith.constant 0 : i32
      %dma_start3A_75 = tpu.memref_slice %arg7[%add3A, %dma_start3A_73, %dma_start3A_74] : memref<32x54x96xi32, #tpu.memory_space<hbm>> -> memref<1x54x96xi32, #tpu.memory_space<hbm>>
      %dma_start3A_76 = tpu.memref_squeeze %dma_start3A_75 : memref<1x54x96xi32, #tpu.memory_space<hbm>> -> memref<54x96xi32, #tpu.memory_space<hbm>>
      %dma_start3A_77 = arith.constant 0 : i32
      %dma_start3A_78 = arith.constant 0 : i32
      %dma_start3A_79 = tpu.memref_slice %arg7[%add3A, %dma_start3A_77, %dma_start3A_78] : memref<32x54x96xi32, #tpu.memory_space<hbm>> -> memref<1x54x96xi32, #tpu.memory_space<hbm>>
      %dma_start3A_80 = tpu.memref_squeeze %dma_start3A_79 : memref<1x54x96xi32, #tpu.memory_space<hbm>> -> memref<54x96xi32, #tpu.memory_space<hbm>>
      tpu.enqueue_dma source(%dma_start3A_80 : memref<54x96xi32, #tpu.memory_space<hbm>>) target(%arg18 : memref<54x96xi32, #tpu.memory_space<vmem>>) target_semaphore(%run_scoped3A_72 : memref<!tpu.dma_semaphore, #tpu.memory_space<semaphore_mem>>)
      %dma_wait3A = arith.constant 0 : i32
      %dma_wait3A_81 = arith.constant 0 : i32
      %dma_wait3A_82 = tpu.memref_slice %arg7[%add3A, %dma_wait3A, %dma_wait3A_81] : memref<32x54x96xi32, #tpu.memory_space<hbm>> -> memref<1x54x96xi32, #tpu.memory_space<hbm>>
      %dma_wait3A_83 = tpu.memref_squeeze %dma_wait3A_82 : memref<1x54x96xi32, #tpu.memory_space<hbm>> -> memref<54x96xi32, #tpu.memory_space<hbm>>
      %dma_wait3A_84 = arith.constant 0 : i32
      %dma_wait3A_85 = arith.constant 0 : i32
      %dma_wait3A_86 = tpu.memref_slice %arg7[%add3A, %dma_wait3A_84, %dma_wait3A_85] : memref<32x54x96xi32, #tpu.memory_space<hbm>> -> memref<1x54x96xi32, #tpu.memory_space<hbm>>
      %dma_wait3A_87 = tpu.memref_squeeze %dma_wait3A_86 : memref<1x54x96xi32, #tpu.memory_space<hbm>> -> memref<54x96xi32, #tpu.memory_space<hbm>>
      tpu.wait_dma2 semaphore(%run_scoped3A_72 : memref<!tpu.dma_semaphore, #tpu.memory_space<semaphore_mem>>) src(%dma_wait3A_87 : memref<54x96xi32, #tpu.memory_space<hbm>>) dst(%arg18 : memref<54x96xi32, #tpu.memory_space<vmem>>)
      tpu.yield
    }) : () -> ()
    %barrier3A_27 = arith.constant 0 : index
    tpu.barrier barrier_id(%barrier3A_27)
    %dma_start3A_28 = arith.constant 0 : i32
    %dma_start3A_29 = tpu.memref_slice %arg17[%dma_start3A_28] : memref<5184xi32, #tpu.memory_space<vmem>> -> memref<96xi32, #tpu.memory_space<vmem>>
    %dma_start3A_30 = arith.constant 0 : i32
    %dma_start3A_31 = arith.constant 0 : i32
    %dma_start3A_32 = tpu.memref_slice %arg2[%dma_start3A_30, %dma_start3A_31] : memref<10000x128xf32, #tpu.memory_space<hbm>> -> memref<10000x128xf32, #tpu.memory_space<hbm>>
    tpu.enqueue_indirect_dma source(%dma_start3A_32 : memref<10000x128xf32, #tpu.memory_space<hbm>>) target(%arg19 : memref<96x128xf32, #tpu.memory_space<vmem>>) offsets(%dma_start3A_29 : memref<96xi32, #tpu.memory_space<vmem>>) semaphore(%arg22 : memref<!tpu.dma_semaphore, #tpu.memory_space<semaphore_mem>>)
    %scan3A_33 = arith.constant 0 : i32
    %scan3A_34 = arith.constant 0 : i32
    %scan3A_35 = arith.constant 27 : i32
    %scan3A_36 = arith.addi %scan3A_34, %scan3A_35 : i32
    %scan3A_37 = arith.constant 1 : i32
    scf.for %scan3A_72 = %scan3A_34 to %scan3A_36 step %scan3A_37  : i32 {
      %mul3A_73 = arith.constant 2 : i32
      %mul3A_74 = arith.muli %scan3A_72, %mul3A_73 : i32
      %add3A_75 = arith.constant 0 : i32
      %add3A_76 = arith.addi %mul3A_74, %add3A_75 : i32
      %add3A_77 = arith.constant 1 : i32
      %add3A_78 = arith.addi %add3A_76, %add3A_77 : i32
      %mul3A_79 = arith.constant 96 : i32
      %mul3A_80 = arith.muli %add3A_78, %mul3A_79 : i32
      %dma_start3A_81 = tpu.memref_slice %arg17[%mul3A_80] : memref<5184xi32, #tpu.memory_space<vmem>> -> memref<96xi32, #tpu.memory_space<vmem>>
      %dma_start3A_82 = arith.constant 0 : i32
      %dma_start3A_83 = arith.constant 0 : i32
      %dma_start3A_84 = tpu.memref_slice %arg2[%dma_start3A_82, %dma_start3A_83] : memref<10000x128xf32, #tpu.memory_space<hbm>> -> memref<10000x128xf32, #tpu.memory_space<hbm>>
      tpu.enqueue_indirect_dma source(%dma_start3A_84 : memref<10000x128xf32, #tpu.memory_space<hbm>>) target(%arg20 : memref<96x128xf32, #tpu.memory_space<vmem>>) offsets(%dma_start3A_81 : memref<96xi32, #tpu.memory_space<vmem>>) semaphore(%arg22 : memref<!tpu.dma_semaphore, #tpu.memory_space<semaphore_mem>>)
      %mul3A_85 = arith.constant 96 : i32
      %mul3A_86 = arith.muli %add3A_76, %mul3A_85 : i32
      %dma_wait3A = tpu.memref_slice %arg17[%mul3A_86] : memref<5184xi32, #tpu.memory_space<vmem>> -> memref<96xi32, #tpu.memory_space<vmem>>
      %dma_wait3A_87 = arith.constant 0 : i32
      %dma_wait3A_88 = arith.constant 0 : i32
      %dma_wait3A_89 = tpu.memref_slice %arg2[%dma_wait3A_87, %dma_wait3A_88] : memref<10000x128xf32, #tpu.memory_space<hbm>> -> memref<10000x128xf32, #tpu.memory_space<hbm>>
      tpu.wait_indirect_dma semaphore(%arg22 : memref<!tpu.dma_semaphore, #tpu.memory_space<semaphore_mem>>) src(%dma_wait3A_89 : memref<10000x128xf32, #tpu.memory_space<hbm>>) dst(%arg19 : memref<96x128xf32, #tpu.memory_space<vmem>>)
      %dma_start3A_90 = arith.constant 0 : i32
      %dma_start3A_91 = tpu.memref_slice %arg18[%add3A_76, %dma_start3A_90] : memref<54x96xi32, #tpu.memory_space<vmem>> -> memref<1x96xi32, #tpu.memory_space<vmem>>
      %dma_start3A_92 = tpu.memref_squeeze %dma_start3A_91 : memref<1x96xi32, #tpu.memory_space<vmem>> -> memref<96xi32, #tpu.memory_space<vmem>>
      %dma_start3A_93 = arith.constant 0 : i32
      %dma_start3A_94 = arith.constant 0 : i32
      %dma_start3A_95 = tpu.memref_slice %arg16[%dma_start3A_93, %dma_start3A_94] : memref<10240x128xf32, #tpu.memory_space<vmem_shared>> -> memref<10240x128xf32, #tpu.memory_space<vmem_shared>>
      tpu.enqueue_indirect_dma source(%arg19 : memref<96x128xf32, #tpu.memory_space<vmem>>) target(%dma_start3A_95 : memref<10240x128xf32, #tpu.memory_space<vmem_shared>>) offsets(%dma_start3A_92 : memref<96xi32, #tpu.memory_space<vmem>>) semaphore(%arg23 : memref<!tpu.dma_semaphore, #tpu.memory_space<semaphore_mem>>) {add = true}
      %get3A = arith.index_cast %add3A_76 : i32 to index
      %get3A_96 = arith.constant 0 : index
      %get3A_97 = tpu.vector_load %arg18[%get3A, %get3A_96] {strides = array<i32>} : memref<54x96xi32, #tpu.memory_space<vmem>>, vector<16xi32>,
      tpu.vector_store_idx %arg21[%get3A_97], %broadcast_in_dim3A_1 {add = true} : memref<10240xf32, #tpu.memory_space<vmem>>[vector<16xi32>], vector<16xf32>,
      %get3A_98 = arith.index_cast %add3A_76 : i32 to index
      %get3A_99 = arith.constant 16 : index
      %get3A_100 = tpu.vector_load %arg18[%get3A_98, %get3A_99] {strides = array<i32>} : memref<54x96xi32, #tpu.memory_space<vmem>>, vector<16xi32>,
      tpu.vector_store_idx %arg21[%get3A_100], %broadcast_in_dim3A_1 {add = true} : memref<10240xf32, #tpu.memory_space<vmem>>[vector<16xi32>], vector<16xf32>,
      %get3A_101 = arith.index_cast %add3A_76 : i32 to index
      %get3A_102 = arith.constant 32 : index
      %get3A_103 = tpu.vector_load %arg18[%get3A_101, %get3A_102] {strides = array<i32>} : memref<54x96xi32, #tpu.memory_space<vmem>>, vector<16xi32>,
      tpu.vector_store_idx %arg21[%get3A_103], %broadcast_in_dim3A_1 {add = true} : memref<10240xf32, #tpu.memory_space<vmem>>[vector<16xi32>], vector<16xf32>,
      %get3A_104 = arith.index_cast %add3A_76 : i32 to index
      %get3A_105 = arith.constant 48 : index
      %get3A_106 = tpu.vector_load %arg18[%get3A_104, %get3A_105] {strides = array<i32>} : memref<54x96xi32, #tpu.memory_space<vmem>>, vector<16xi32>,
      tpu.vector_store_idx %arg21[%get3A_106], %broadcast_in_dim3A_1 {add = true} : memref<10240xf32, #tpu.memory_space<vmem>>[vector<16xi32>], vector<16xf32>,
      %get3A_107 = arith.index_cast %add3A_76 : i32 to index
      %get3A_108 = arith.constant 64 : index
      %get3A_109 = tpu.vector_load %arg18[%get3A_107, %get3A_108] {strides = array<i32>} : memref<54x96xi32, #tpu.memory_space<vmem>>, vector<16xi32>,
      tpu.vector_store_idx %arg21[%get3A_109], %broadcast_in_dim3A_1 {add = true} : memref<10240xf32, #tpu.memory_space<vmem>>[vector<16xi32>], vector<16xf32>,
      %get3A_110 = arith.index_cast %add3A_76 : i32 to index
      %get3A_111 = arith.constant 80 : index
      %get3A_112 = tpu.vector_load %arg18[%get3A_110, %get3A_111] {strides = array<i32>} : memref<54x96xi32, #tpu.memory_space<vmem>>, vector<16xi32>,
      tpu.vector_store_idx %arg21[%get3A_112], %broadcast_in_dim3A_1 {add = true} : memref<10240xf32, #tpu.memory_space<vmem>>[vector<16xi32>], vector<16xf32>,
      %dma_wait3A_113 = arith.constant 0 : i32
      %dma_wait3A_114 = tpu.memref_slice %arg18[%add3A_76, %dma_wait3A_113] : memref<54x96xi32, #tpu.memory_space<vmem>> -> memref<1x96xi32, #tpu.memory_space<vmem>>
      %dma_wait3A_115 = tpu.memref_squeeze %dma_wait3A_114 : memref<1x96xi32, #tpu.memory_space<vmem>> -> memref<96xi32, #tpu.memory_space<vmem>>
      %dma_wait3A_116 = arith.constant 0 : i32
      %dma_wait3A_117 = arith.constant 0 : i32
      %dma_wait3A_118 = tpu.memref_slice %arg16[%dma_wait3A_116, %dma_wait3A_117] : memref<10240x128xf32, #tpu.memory_space<vmem_shared>> -> memref<10240x128xf32, #tpu.memory_space<vmem_shared>>
      tpu.wait_indirect_dma semaphore(%arg23 : memref<!tpu.dma_semaphore, #tpu.memory_space<semaphore_mem>>) src(%arg19 : memref<96x128xf32, #tpu.memory_space<vmem>>) dst(%dma_wait3A_118 : memref<10240x128xf32, #tpu.memory_space<vmem_shared>>)
      %mul3A_119 = arith.constant 2 : i32
      %mul3A_120 = arith.muli %scan3A_72, %mul3A_119 : i32
      %add3A_121 = arith.constant 1 : i32
      %add3A_122 = arith.addi %mul3A_120, %add3A_121 : i32
      %lt3A = arith.constant 26 : i32
      %lt3A_123 = arith.cmpi slt, %scan3A_72, %lt3A : i32
      %convert_element_type3A = arith.extui %lt3A_123 : i1 to i32
      %cond3A = arith.constant 0 : i32
      %cond3A_124 = arith.cmpi ne, %convert_element_type3A, %cond3A : i32
      scf.if %cond3A_124 {
        %add3A_161 = arith.constant 1 : i32
        %add3A_162 = arith.addi %add3A_122, %add3A_161 : i32
        %mul3A_163 = arith.constant 96 : i32
        %mul3A_164 = arith.muli %add3A_162, %mul3A_163 : i32
        %dma_start3A_165 = tpu.memref_slice %arg17[%mul3A_164] : memref<5184xi32, #tpu.memory_space<vmem>> -> memref<96xi32, #tpu.memory_space<vmem>>
        %dma_start3A_166 = arith.constant 0 : i32
        %dma_start3A_167 = arith.constant 0 : i32
        %dma_start3A_168 = tpu.memref_slice %arg2[%dma_start3A_166, %dma_start3A_167] : memref<10000x128xf32, #tpu.memory_space<hbm>> -> memref<10000x128xf32, #tpu.memory_space<hbm>>
        tpu.enqueue_indirect_dma source(%dma_start3A_168 : memref<10000x128xf32, #tpu.memory_space<hbm>>) target(%arg19 : memref<96x128xf32, #tpu.memory_space<vmem>>) offsets(%dma_start3A_165 : memref<96xi32, #tpu.memory_space<vmem>>) semaphore(%arg22 : memref<!tpu.dma_semaphore, #tpu.memory_space<semaphore_mem>>)
      } else {
      }
      %mul3A_125 = arith.constant 96 : i32
      %mul3A_126 = arith.muli %add3A_122, %mul3A_125 : i32
      %dma_wait3A_127 = tpu.memref_slice %arg17[%mul3A_126] : memref<5184xi32, #tpu.memory_space<vmem>> -> memref<96xi32, #tpu.memory_space<vmem>>
      %dma_wait3A_128 = arith.constant 0 : i32
      %dma_wait3A_129 = arith.constant 0 : i32
      %dma_wait3A_130 = tpu.memref_slice %arg2[%dma_wait3A_128, %dma_wait3A_129] : memref<10000x128xf32, #tpu.memory_space<hbm>> -> memref<10000x128xf32, #tpu.memory_space<hbm>>
      tpu.wait_indirect_dma semaphore(%arg22 : memref<!tpu.dma_semaphore, #tpu.memory_space<semaphore_mem>>) src(%dma_wait3A_130 : memref<10000x128xf32, #tpu.memory_space<hbm>>) dst(%arg20 : memref<96x128xf32, #tpu.memory_space<vmem>>)
      %dma_start3A_131 = arith.constant 0 : i32
      %dma_start3A_132 = tpu.memref_slice %arg18[%add3A_122, %dma_start3A_131] : memref<54x96xi32, #tpu.memory_space<vmem>> -> memref<1x96xi32, #tpu.memory_space<vmem>>
      %dma_start3A_133 = tpu.memref_squeeze %dma_start3A_132 : memref<1x96xi32, #tpu.memory_space<vmem>> -> memref<96xi32, #tpu.memory_space<vmem>>
      %dma_start3A_134 = arith.constant 0 : i32
      %dma_start3A_135 = arith.constant 0 : i32
      %dma_start3A_136 = tpu.memref_slice %arg16[%dma_start3A_134, %dma_start3A_135] : memref<10240x128xf32, #tpu.memory_space<vmem_shared>> -> memref<10240x128xf32, #tpu.memory_space<vmem_shared>>
      tpu.enqueue_indirect_dma source(%arg20 : memref<96x128xf32, #tpu.memory_space<vmem>>) target(%dma_start3A_136 : memref<10240x128xf32, #tpu.memory_space<vmem_shared>>) offsets(%dma_start3A_133 : memref<96xi32, #tpu.memory_space<vmem>>) semaphore(%arg23 : memref<!tpu.dma_semaphore, #tpu.memory_space<semaphore_mem>>) {add = true}
      %get3A_137 = arith.index_cast %add3A_122 : i32 to index
      %get3A_138 = arith.constant 0 : index
      %get3A_139 = tpu.vector_load %arg18[%get3A_137, %get3A_138] {strides = array<i32>} : memref<54x96xi32, #tpu.memory_space<vmem>>, vector<16xi32>,
      tpu.vector_store_idx %arg21[%get3A_139], %broadcast_in_dim3A_1 {add = true} : memref<10240xf32, #tpu.memory_space<vmem>>[vector<16xi32>], vector<16xf32>,
      %get3A_140 = arith.index_cast %add3A_122 : i32 to index
      %get3A_141 = arith.constant 16 : index
      %get3A_142 = tpu.vector_load %arg18[%get3A_140, %get3A_141] {strides = array<i32>} : memref<54x96xi32, #tpu.memory_space<vmem>>, vector<16xi32>,
      tpu.vector_store_idx %arg21[%get3A_142], %broadcast_in_dim3A_1 {add = true} : memref<10240xf32, #tpu.memory_space<vmem>>[vector<16xi32>], vector<16xf32>,
      %get3A_143 = arith.index_cast %add3A_122 : i32 to index
      %get3A_144 = arith.constant 32 : index
      %get3A_145 = tpu.vector_load %arg18[%get3A_143, %get3A_144] {strides = array<i32>} : memref<54x96xi32, #tpu.memory_space<vmem>>, vector<16xi32>,
      tpu.vector_store_idx %arg21[%get3A_145], %broadcast_in_dim3A_1 {add = true} : memref<10240xf32, #tpu.memory_space<vmem>>[vector<16xi32>], vector<16xf32>,
      %get3A_146 = arith.index_cast %add3A_122 : i32 to index
      %get3A_147 = arith.constant 48 : index
      %get3A_148 = tpu.vector_load %arg18[%get3A_146, %get3A_147] {strides = array<i32>} : memref<54x96xi32, #tpu.memory_space<vmem>>, vector<16xi32>,
      tpu.vector_store_idx %arg21[%get3A_148], %broadcast_in_dim3A_1 {add = true} : memref<10240xf32, #tpu.memory_space<vmem>>[vector<16xi32>], vector<16xf32>,
      %get3A_149 = arith.index_cast %add3A_122 : i32 to index
      %get3A_150 = arith.constant 64 : index
      %get3A_151 = tpu.vector_load %arg18[%get3A_149, %get3A_150] {strides = array<i32>} : memref<54x96xi32, #tpu.memory_space<vmem>>, vector<16xi32>,
      tpu.vector_store_idx %arg21[%get3A_151], %broadcast_in_dim3A_1 {add = true} : memref<10240xf32, #tpu.memory_space<vmem>>[vector<16xi32>], vector<16xf32>,
      %get3A_152 = arith.index_cast %add3A_122 : i32 to index
      %get3A_153 = arith.constant 80 : index
      %get3A_154 = tpu.vector_load %arg18[%get3A_152, %get3A_153] {strides = array<i32>} : memref<54x96xi32, #tpu.memory_space<vmem>>, vector<16xi32>,
      tpu.vector_store_idx %arg21[%get3A_154], %broadcast_in_dim3A_1 {add = true} : memref<10240xf32, #tpu.memory_space<vmem>>[vector<16xi32>], vector<16xf32>,
      %dma_wait3A_155 = arith.constant 0 : i32
      %dma_wait3A_156 = tpu.memref_slice %arg18[%add3A_122, %dma_wait3A_155] : memref<54x96xi32, #tpu.memory_space<vmem>> -> memref<1x96xi32, #tpu.memory_space<vmem>>
      %dma_wait3A_157 = tpu.memref_squeeze %dma_wait3A_156 : memref<1x96xi32, #tpu.memory_space<vmem>> -> memref<96xi32, #tpu.memory_space<vmem>>
      %dma_wait3A_158 = arith.constant 0 : i32
      %dma_wait3A_159 = arith.constant 0 : i32
      %dma_wait3A_160 = tpu.memref_slice %arg16[%dma_wait3A_158, %dma_wait3A_159] : memref<10240x128xf32, #tpu.memory_space<vmem_shared>> -> memref<10240x128xf32, #tpu.memory_space<vmem_shared>>
      tpu.wait_indirect_dma semaphore(%arg23 : memref<!tpu.dma_semaphore, #tpu.memory_space<semaphore_mem>>) src(%arg20 : memref<96x128xf32, #tpu.memory_space<vmem>>) dst(%dma_wait3A_160 : memref<10240x128xf32, #tpu.memory_space<vmem_shared>>)
    }
    %scan3A_38 = arith.constant 27 : i32
    %barrier3A_39 = arith.constant 0 : index
    tpu.barrier barrier_id(%barrier3A_39)
    %mul3A_40 = arith.constant 640 : i32
    %mul3A_41 = arith.muli %arg1, %mul3A_40 : i32
    %mul3A_42 = arith.constant 640 : i32
    %mul3A_43 = arith.muli %arg1, %mul3A_42 : i32
    %run_scoped3A_44 = arith.constant 1 : i32
    "tpu.region"() ({
      %run_scoped3A_72 = tpu.sem_alloc : memref<!tpu.dma_semaphore, #tpu.memory_space<semaphore_mem>>
      %dma_start3A_73 = arith.constant 0 : i32
      %dma_start3A_74 = tpu.memref_slice %arg12[%run_scoped3A_44, %arg0, %mul3A_43, %dma_start3A_73] : memref<3x2x10240x128xf32, #tpu.memory_space<hbm>> -> memref<1x1x640x128xf32, #tpu.memory_space<hbm>>
      %dma_start3A_75 = tpu.memref_squeeze %dma_start3A_74 : memref<1x1x640x128xf32, #tpu.memory_space<hbm>> -> memref<640x128xf32, #tpu.memory_space<hbm>>
      %dma_start3A_76 = arith.constant 0 : i32
      %dma_start3A_77 = tpu.memref_slice %arg16[%mul3A_41, %dma_start3A_76] : memref<10240x128xf32, #tpu.memory_space<vmem_shared>> -> memref<640x128xf32, #tpu.memory_space<vmem_shared>>
      tpu.enqueue_dma source(%dma_start3A_77 : memref<640x128xf32, #tpu.memory_space<vmem_shared>>) target(%dma_start3A_75 : memref<640x128xf32, #tpu.memory_space<hbm>>) target_semaphore(%run_scoped3A_72 : memref<!tpu.dma_semaphore, #tpu.memory_space<semaphore_mem>>)
      %dma_wait3A = arith.constant 0 : i32
      %dma_wait3A_78 = tpu.memref_slice %arg12[%run_scoped3A_44, %arg0, %mul3A_43, %dma_wait3A] : memref<3x2x10240x128xf32, #tpu.memory_space<hbm>> -> memref<1x1x640x128xf32, #tpu.memory_space<hbm>>
      %dma_wait3A_79 = tpu.memref_squeeze %dma_wait3A_78 : memref<1x1x640x128xf32, #tpu.memory_space<hbm>> -> memref<640x128xf32, #tpu.memory_space<hbm>>
      %dma_wait3A_80 = arith.constant 0 : i32
      %dma_wait3A_81 = tpu.memref_slice %arg16[%mul3A_41, %dma_wait3A_80] : memref<10240x128xf32, #tpu.memory_space<vmem_shared>> -> memref<640x128xf32, #tpu.memory_space<vmem_shared>>
      tpu.wait_dma2 semaphore(%run_scoped3A_72 : memref<!tpu.dma_semaphore, #tpu.memory_space<semaphore_mem>>) src(%dma_wait3A_81 : memref<640x128xf32, #tpu.memory_space<vmem_shared>>) dst(%dma_wait3A_79 : memref<640x128xf32, #tpu.memory_space<hbm>>)
      tpu.yield
    }) : () -> ()
    %mul3A_45 = arith.constant 10240 : i32
    %mul3A_46 = arith.muli %add3A, %mul3A_45 : i32
    "tpu.region"() ({
      %run_scoped3A_72 = tpu.sem_alloc : memref<!tpu.dma_semaphore, #tpu.memory_space<semaphore_mem>>
      %dma_start3A_73 = tpu.memref_slice %arg14[%mul3A_46] : memref<327680xf32, #tpu.memory_space<hbm>> -> memref<10240xf32, #tpu.memory_space<hbm>>
      %dma_start3A_74 = tpu.memref_slice %arg14[%mul3A_46] : memref<327680xf32, #tpu.memory_space<hbm>> -> memref<10240xf32, #tpu.memory_space<hbm>>
      tpu.enqueue_dma source(%arg21 : memref<10240xf32, #tpu.memory_space<vmem>>) target(%dma_start3A_74 : memref<10240xf32, #tpu.memory_space<hbm>>) target_semaphore(%run_scoped3A_72 : memref<!tpu.dma_semaphore, #tpu.memory_space<semaphore_mem>>)
      %dma_wait3A = tpu.memref_slice %arg14[%mul3A_46] : memref<327680xf32, #tpu.memory_space<hbm>> -> memref<10240xf32, #tpu.memory_space<hbm>>
      %dma_wait3A_75 = tpu.memref_slice %arg14[%mul3A_46] : memref<327680xf32, #tpu.memory_space<hbm>> -> memref<10240xf32, #tpu.memory_space<hbm>>
      tpu.wait_dma2 semaphore(%run_scoped3A_72 : memref<!tpu.dma_semaphore, #tpu.memory_space<semaphore_mem>>) src(%arg21 : memref<10240xf32, #tpu.memory_space<vmem>>) dst(%dma_wait3A_75 : memref<10240xf32, #tpu.memory_space<hbm>>)
      tpu.yield
    }) : () -> ()
    "tpu.region"() ({
      %run_scoped3A_72 = tpu.sem_alloc : memref<!tpu.dma_semaphore, #tpu.memory_space<semaphore_mem>>
      tpu.enqueue_dma source(%arg11 : memref<10240xf32, #tpu.memory_space<hbm>>) target(%arg21 : memref<10240xf32, #tpu.memory_space<vmem>>) target_semaphore(%run_scoped3A_72 : memref<!tpu.dma_semaphore, #tpu.memory_space<semaphore_mem>>)
      tpu.wait_dma2 semaphore(%run_scoped3A_72 : memref<!tpu.dma_semaphore, #tpu.memory_space<semaphore_mem>>) src(%arg11 : memref<10240xf32, #tpu.memory_space<hbm>>) dst(%arg21 : memref<10240xf32, #tpu.memory_space<vmem>>)
      tpu.yield
    }) : () -> ()
    %mul3A_47 = arith.constant 640 : i32
    %mul3A_48 = arith.muli %arg1, %mul3A_47 : i32
    "tpu.region"() ({
      %run_scoped3A_72 = tpu.sem_alloc : memref<!tpu.dma_semaphore, #tpu.memory_space<semaphore_mem>>
      %dma_start3A_73 = arith.constant 0 : i32
      %dma_start3A_74 = tpu.memref_slice %arg16[%mul3A_48, %dma_start3A_73] : memref<10240x128xf32, #tpu.memory_space<vmem_shared>> -> memref<640x128xf32, #tpu.memory_space<vmem_shared>>
      tpu.enqueue_dma source(%arg10 : memref<640x128xf32, #tpu.memory_space<hbm>>) target(%dma_start3A_74 : memref<640x128xf32, #tpu.memory_space<vmem_shared>>) target_semaphore(%run_scoped3A_72 : memref<!tpu.dma_semaphore, #tpu.memory_space<semaphore_mem>>)
      %dma_wait3A = arith.constant 0 : i32
      %dma_wait3A_75 = tpu.memref_slice %arg16[%mul3A_48, %dma_wait3A] : memref<10240x128xf32, #tpu.memory_space<vmem_shared>> -> memref<640x128xf32, #tpu.memory_space<vmem_shared>>
      tpu.wait_dma2 semaphore(%run_scoped3A_72 : memref<!tpu.dma_semaphore, #tpu.memory_space<semaphore_mem>>) src(%arg10 : memref<640x128xf32, #tpu.memory_space<hbm>>) dst(%dma_wait3A_75 : memref<640x128xf32, #tpu.memory_space<vmem_shared>>)
      tpu.yield
    }) : () -> ()
    %mul3A_49 = arith.constant 5184 : i32
    %mul3A_50 = arith.muli %add3A, %mul3A_49 : i32
    %multiple_of3A_51 = tpu.assume_multiple %mul3A_50, 8 : i32
    "tpu.region"() ({
      %run_scoped3A_72 = tpu.sem_alloc : memref<!tpu.dma_semaphore, #tpu.memory_space<semaphore_mem>>
      %dma_start3A_73 = tpu.memref_slice %arg8[%multiple_of3A_51] : memref<165888xi32, #tpu.memory_space<hbm>> -> memref<5184xi32, #tpu.memory_space<hbm>>
      %dma_start3A_74 = tpu.memref_slice %arg8[%multiple_of3A_51] : memref<165888xi32, #tpu.memory_space<hbm>> -> memref<5184xi32, #tpu.memory_space<hbm>>
      tpu.enqueue_dma source(%dma_start3A_74 : memref<5184xi32, #tpu.memory_space<hbm>>) target(%arg17 : memref<5184xi32, #tpu.memory_space<vmem>>) target_semaphore(%run_scoped3A_72 : memref<!tpu.dma_semaphore, #tpu.memory_space<semaphore_mem>>)
      %dma_wait3A = tpu.memref_slice %arg8[%multiple_of3A_51] : memref<165888xi32, #tpu.memory_space<hbm>> -> memref<5184xi32, #tpu.memory_space<hbm>>
      %dma_wait3A_75 = tpu.memref_slice %arg8[%multiple_of3A_51] : memref<165888xi32, #tpu.memory_space<hbm>> -> memref<5184xi32, #tpu.memory_space<hbm>>
      tpu.wait_dma2 semaphore(%run_scoped3A_72 : memref<!tpu.dma_semaphore, #tpu.memory_space<semaphore_mem>>) src(%dma_wait3A_75 : memref<5184xi32, #tpu.memory_space<hbm>>) dst(%arg17 : memref<5184xi32, #tpu.memory_space<vmem>>)
      tpu.yield
    }) : () -> ()
    "tpu.region"() ({
      %run_scoped3A_72 = tpu.sem_alloc : memref<!tpu.dma_semaphore, #tpu.memory_space<semaphore_mem>>
      %dma_start3A_73 = arith.constant 0 : i32
      %dma_start3A_74 = arith.constant 0 : i32
      %dma_start3A_75 = tpu.memref_slice %arg9[%add3A, %dma_start3A_73, %dma_start3A_74] : memref<32x54x96xi32, #tpu.memory_space<hbm>> -> memref<1x54x96xi32, #tpu.memory_space<hbm>>
      %dma_start3A_76 = tpu.memref_squeeze %dma_start3A_75 : memref<1x54x96xi32, #tpu.memory_space<hbm>> -> memref<54x96xi32, #tpu.memory_space<hbm>>
      %dma_start3A_77 = arith.constant 0 : i32
      %dma_start3A_78 = arith.constant 0 : i32
      %dma_start3A_79 = tpu.memref_slice %arg9[%add3A, %dma_start3A_77, %dma_start3A_78] : memref<32x54x96xi32, #tpu.memory_space<hbm>> -> memref<1x54x96xi32, #tpu.memory_space<hbm>>
      %dma_start3A_80 = tpu.memref_squeeze %dma_start3A_79 : memref<1x54x96xi32, #tpu.memory_space<hbm>> -> memref<54x96xi32, #tpu.memory_space<hbm>>
      tpu.enqueue_dma source(%dma_start3A_80 : memref<54x96xi32, #tpu.memory_space<hbm>>) target(%arg18 : memref<54x96xi32, #tpu.memory_space<vmem>>) target_semaphore(%run_scoped3A_72 : memref<!tpu.dma_semaphore, #tpu.memory_space<semaphore_mem>>)
      %dma_wait3A = arith.constant 0 : i32
      %dma_wait3A_81 = arith.constant 0 : i32
      %dma_wait3A_82 = tpu.memref_slice %arg9[%add3A, %dma_wait3A, %dma_wait3A_81] : memref<32x54x96xi32, #tpu.memory_space<hbm>> -> memref<1x54x96xi32, #tpu.memory_space<hbm>>
      %dma_wait3A_83 = tpu.memref_squeeze %dma_wait3A_82 : memref<1x54x96xi32, #tpu.memory_space<hbm>> -> memref<54x96xi32, #tpu.memory_space<hbm>>
      %dma_wait3A_84 = arith.constant 0 : i32
      %dma_wait3A_85 = arith.constant 0 : i32
      %dma_wait3A_86 = tpu.memref_slice %arg9[%add3A, %dma_wait3A_84, %dma_wait3A_85] : memref<32x54x96xi32, #tpu.memory_space<hbm>> -> memref<1x54x96xi32, #tpu.memory_space<hbm>>
      %dma_wait3A_87 = tpu.memref_squeeze %dma_wait3A_86 : memref<1x54x96xi32, #tpu.memory_space<hbm>> -> memref<54x96xi32, #tpu.memory_space<hbm>>
      tpu.wait_dma2 semaphore(%run_scoped3A_72 : memref<!tpu.dma_semaphore, #tpu.memory_space<semaphore_mem>>) src(%dma_wait3A_87 : memref<54x96xi32, #tpu.memory_space<hbm>>) dst(%arg18 : memref<54x96xi32, #tpu.memory_space<vmem>>)
      tpu.yield
    }) : () -> ()
    %barrier3A_52 = arith.constant 0 : index
    tpu.barrier barrier_id(%barrier3A_52)
    %dma_start3A_53 = arith.constant 0 : i32
    %dma_start3A_54 = tpu.memref_slice %arg17[%dma_start3A_53] : memref<5184xi32, #tpu.memory_space<vmem>> -> memref<96xi32, #tpu.memory_space<vmem>>
    %dma_start3A_55 = arith.constant 0 : i32
    %dma_start3A_56 = arith.constant 0 : i32
    %dma_start3A_57 = tpu.memref_slice %arg3[%dma_start3A_55, %dma_start3A_56] : memref<10000x128xf32, #tpu.memory_space<hbm>> -> memref<10000x128xf32, #tpu.memory_space<hbm>>
    tpu.enqueue_indirect_dma source(%dma_start3A_57 : memref<10000x128xf32, #tpu.memory_space<hbm>>) target(%arg19 : memref<96x128xf32, #tpu.memory_space<vmem>>) offsets(%dma_start3A_54 : memref<96xi32, #tpu.memory_space<vmem>>) semaphore(%arg22 : memref<!tpu.dma_semaphore, #tpu.memory_space<semaphore_mem>>)
    %scan3A_58 = arith.constant 0 : i32
    %scan3A_59 = arith.constant 0 : i32
    %scan3A_60 = arith.constant 27 : i32
    %scan3A_61 = arith.addi %scan3A_59, %scan3A_60 : i32
    %scan3A_62 = arith.constant 1 : i32
    scf.for %scan3A_72 = %scan3A_59 to %scan3A_61 step %scan3A_62  : i32 {
      %mul3A_73 = arith.constant 2 : i32
      %mul3A_74 = arith.muli %scan3A_72, %mul3A_73 : i32
      %add3A_75 = arith.constant 0 : i32
      %add3A_76 = arith.addi %mul3A_74, %add3A_75 : i32
      %add3A_77 = arith.constant 1 : i32
      %add3A_78 = arith.addi %add3A_76, %add3A_77 : i32
      %mul3A_79 = arith.constant 96 : i32
      %mul3A_80 = arith.muli %add3A_78, %mul3A_79 : i32
      %dma_start3A_81 = tpu.memref_slice %arg17[%mul3A_80] : memref<5184xi32, #tpu.memory_space<vmem>> -> memref<96xi32, #tpu.memory_space<vmem>>
      %dma_start3A_82 = arith.constant 0 : i32
      %dma_start3A_83 = arith.constant 0 : i32
      %dma_start3A_84 = tpu.memref_slice %arg3[%dma_start3A_82, %dma_start3A_83] : memref<10000x128xf32, #tpu.memory_space<hbm>> -> memref<10000x128xf32, #tpu.memory_space<hbm>>
      tpu.enqueue_indirect_dma source(%dma_start3A_84 : memref<10000x128xf32, #tpu.memory_space<hbm>>) target(%arg20 : memref<96x128xf32, #tpu.memory_space<vmem>>) offsets(%dma_start3A_81 : memref<96xi32, #tpu.memory_space<vmem>>) semaphore(%arg22 : memref<!tpu.dma_semaphore, #tpu.memory_space<semaphore_mem>>)
      %mul3A_85 = arith.constant 96 : i32
      %mul3A_86 = arith.muli %add3A_76, %mul3A_85 : i32
      %dma_wait3A = tpu.memref_slice %arg17[%mul3A_86] : memref<5184xi32, #tpu.memory_space<vmem>> -> memref<96xi32, #tpu.memory_space<vmem>>
      %dma_wait3A_87 = arith.constant 0 : i32
      %dma_wait3A_88 = arith.constant 0 : i32
      %dma_wait3A_89 = tpu.memref_slice %arg3[%dma_wait3A_87, %dma_wait3A_88] : memref<10000x128xf32, #tpu.memory_space<hbm>> -> memref<10000x128xf32, #tpu.memory_space<hbm>>
      tpu.wait_indirect_dma semaphore(%arg22 : memref<!tpu.dma_semaphore, #tpu.memory_space<semaphore_mem>>) src(%dma_wait3A_89 : memref<10000x128xf32, #tpu.memory_space<hbm>>) dst(%arg19 : memref<96x128xf32, #tpu.memory_space<vmem>>)
      %dma_start3A_90 = arith.constant 0 : i32
      %dma_start3A_91 = tpu.memref_slice %arg18[%add3A_76, %dma_start3A_90] : memref<54x96xi32, #tpu.memory_space<vmem>> -> memref<1x96xi32, #tpu.memory_space<vmem>>
      %dma_start3A_92 = tpu.memref_squeeze %dma_start3A_91 : memref<1x96xi32, #tpu.memory_space<vmem>> -> memref<96xi32, #tpu.memory_space<vmem>>
      %dma_start3A_93 = arith.constant 0 : i32
      %dma_start3A_94 = arith.constant 0 : i32
      %dma_start3A_95 = tpu.memref_slice %arg16[%dma_start3A_93, %dma_start3A_94] : memref<10240x128xf32, #tpu.memory_space<vmem_shared>> -> memref<10240x128xf32, #tpu.memory_space<vmem_shared>>
      tpu.enqueue_indirect_dma source(%arg19 : memref<96x128xf32, #tpu.memory_space<vmem>>) target(%dma_start3A_95 : memref<10240x128xf32, #tpu.memory_space<vmem_shared>>) offsets(%dma_start3A_92 : memref<96xi32, #tpu.memory_space<vmem>>) semaphore(%arg23 : memref<!tpu.dma_semaphore, #tpu.memory_space<semaphore_mem>>) {add = true}
      %get3A = arith.index_cast %add3A_76 : i32 to index
      %get3A_96 = arith.constant 0 : index
      %get3A_97 = tpu.vector_load %arg18[%get3A, %get3A_96] {strides = array<i32>} : memref<54x96xi32, #tpu.memory_space<vmem>>, vector<16xi32>,
      tpu.vector_store_idx %arg21[%get3A_97], %broadcast_in_dim3A_1 {add = true} : memref<10240xf32, #tpu.memory_space<vmem>>[vector<16xi32>], vector<16xf32>,
      %get3A_98 = arith.index_cast %add3A_76 : i32 to index
      %get3A_99 = arith.constant 16 : index
      %get3A_100 = tpu.vector_load %arg18[%get3A_98, %get3A_99] {strides = array<i32>} : memref<54x96xi32, #tpu.memory_space<vmem>>, vector<16xi32>,
      tpu.vector_store_idx %arg21[%get3A_100], %broadcast_in_dim3A_1 {add = true} : memref<10240xf32, #tpu.memory_space<vmem>>[vector<16xi32>], vector<16xf32>,
      %get3A_101 = arith.index_cast %add3A_76 : i32 to index
      %get3A_102 = arith.constant 32 : index
      %get3A_103 = tpu.vector_load %arg18[%get3A_101, %get3A_102] {strides = array<i32>} : memref<54x96xi32, #tpu.memory_space<vmem>>, vector<16xi32>,
      tpu.vector_store_idx %arg21[%get3A_103], %broadcast_in_dim3A_1 {add = true} : memref<10240xf32, #tpu.memory_space<vmem>>[vector<16xi32>], vector<16xf32>,
      %get3A_104 = arith.index_cast %add3A_76 : i32 to index
      %get3A_105 = arith.constant 48 : index
      %get3A_106 = tpu.vector_load %arg18[%get3A_104, %get3A_105] {strides = array<i32>} : memref<54x96xi32, #tpu.memory_space<vmem>>, vector<16xi32>,
      tpu.vector_store_idx %arg21[%get3A_106], %broadcast_in_dim3A_1 {add = true} : memref<10240xf32, #tpu.memory_space<vmem>>[vector<16xi32>], vector<16xf32>,
      %get3A_107 = arith.index_cast %add3A_76 : i32 to index
      %get3A_108 = arith.constant 64 : index
      %get3A_109 = tpu.vector_load %arg18[%get3A_107, %get3A_108] {strides = array<i32>} : memref<54x96xi32, #tpu.memory_space<vmem>>, vector<16xi32>,
      tpu.vector_store_idx %arg21[%get3A_109], %broadcast_in_dim3A_1 {add = true} : memref<10240xf32, #tpu.memory_space<vmem>>[vector<16xi32>], vector<16xf32>,
      %get3A_110 = arith.index_cast %add3A_76 : i32 to index
      %get3A_111 = arith.constant 80 : index
      %get3A_112 = tpu.vector_load %arg18[%get3A_110, %get3A_111] {strides = array<i32>} : memref<54x96xi32, #tpu.memory_space<vmem>>, vector<16xi32>,
      tpu.vector_store_idx %arg21[%get3A_112], %broadcast_in_dim3A_1 {add = true} : memref<10240xf32, #tpu.memory_space<vmem>>[vector<16xi32>], vector<16xf32>,
      %dma_wait3A_113 = arith.constant 0 : i32
      %dma_wait3A_114 = tpu.memref_slice %arg18[%add3A_76, %dma_wait3A_113] : memref<54x96xi32, #tpu.memory_space<vmem>> -> memref<1x96xi32, #tpu.memory_space<vmem>>
      %dma_wait3A_115 = tpu.memref_squeeze %dma_wait3A_114 : memref<1x96xi32, #tpu.memory_space<vmem>> -> memref<96xi32, #tpu.memory_space<vmem>>
      %dma_wait3A_116 = arith.constant 0 : i32
      %dma_wait3A_117 = arith.constant 0 : i32
      %dma_wait3A_118 = tpu.memref_slice %arg16[%dma_wait3A_116, %dma_wait3A_117] : memref<10240x128xf32, #tpu.memory_space<vmem_shared>> -> memref<10240x128xf32, #tpu.memory_space<vmem_shared>>
      tpu.wait_indirect_dma semaphore(%arg23 : memref<!tpu.dma_semaphore, #tpu.memory_space<semaphore_mem>>) src(%arg19 : memref<96x128xf32, #tpu.memory_space<vmem>>) dst(%dma_wait3A_118 : memref<10240x128xf32, #tpu.memory_space<vmem_shared>>)
      %mul3A_119 = arith.constant 2 : i32
      %mul3A_120 = arith.muli %scan3A_72, %mul3A_119 : i32
      %add3A_121 = arith.constant 1 : i32
      %add3A_122 = arith.addi %mul3A_120, %add3A_121 : i32
      %lt3A = arith.constant 26 : i32
      %lt3A_123 = arith.cmpi slt, %scan3A_72, %lt3A : i32
      %convert_element_type3A = arith.extui %lt3A_123 : i1 to i32
      %cond3A = arith.constant 0 : i32
      %cond3A_124 = arith.cmpi ne, %convert_element_type3A, %cond3A : i32
      scf.if %cond3A_124 {
        %add3A_161 = arith.constant 1 : i32
        %add3A_162 = arith.addi %add3A_122, %add3A_161 : i32
        %mul3A_163 = arith.constant 96 : i32
        %mul3A_164 = arith.muli %add3A_162, %mul3A_163 : i32
        %dma_start3A_165 = tpu.memref_slice %arg17[%mul3A_164] : memref<5184xi32, #tpu.memory_space<vmem>> -> memref<96xi32, #tpu.memory_space<vmem>>
        %dma_start3A_166 = arith.constant 0 : i32
        %dma_start3A_167 = arith.constant 0 : i32
        %dma_start3A_168 = tpu.memref_slice %arg3[%dma_start3A_166, %dma_start3A_167] : memref<10000x128xf32, #tpu.memory_space<hbm>> -> memref<10000x128xf32, #tpu.memory_space<hbm>>
        tpu.enqueue_indirect_dma source(%dma_start3A_168 : memref<10000x128xf32, #tpu.memory_space<hbm>>) target(%arg19 : memref<96x128xf32, #tpu.memory_space<vmem>>) offsets(%dma_start3A_165 : memref<96xi32, #tpu.memory_space<vmem>>) semaphore(%arg22 : memref<!tpu.dma_semaphore, #tpu.memory_space<semaphore_mem>>)
      } else {
      }
      %mul3A_125 = arith.constant 96 : i32
      %mul3A_126 = arith.muli %add3A_122, %mul3A_125 : i32
      %dma_wait3A_127 = tpu.memref_slice %arg17[%mul3A_126] : memref<5184xi32, #tpu.memory_space<vmem>> -> memref<96xi32, #tpu.memory_space<vmem>>
      %dma_wait3A_128 = arith.constant 0 : i32
      %dma_wait3A_129 = arith.constant 0 : i32
      %dma_wait3A_130 = tpu.memref_slice %arg3[%dma_wait3A_128, %dma_wait3A_129] : memref<10000x128xf32, #tpu.memory_space<hbm>> -> memref<10000x128xf32, #tpu.memory_space<hbm>>
      tpu.wait_indirect_dma semaphore(%arg22 : memref<!tpu.dma_semaphore, #tpu.memory_space<semaphore_mem>>) src(%dma_wait3A_130 : memref<10000x128xf32, #tpu.memory_space<hbm>>) dst(%arg20 : memref<96x128xf32, #tpu.memory_space<vmem>>)
      %dma_start3A_131 = arith.constant 0 : i32
      %dma_start3A_132 = tpu.memref_slice %arg18[%add3A_122, %dma_start3A_131] : memref<54x96xi32, #tpu.memory_space<vmem>> -> memref<1x96xi32, #tpu.memory_space<vmem>>
      %dma_start3A_133 = tpu.memref_squeeze %dma_start3A_132 : memref<1x96xi32, #tpu.memory_space<vmem>> -> memref<96xi32, #tpu.memory_space<vmem>>
      %dma_start3A_134 = arith.constant 0 : i32
      %dma_start3A_135 = arith.constant 0 : i32
      %dma_start3A_136 = tpu.memref_slice %arg16[%dma_start3A_134, %dma_start3A_135] : memref<10240x128xf32, #tpu.memory_space<vmem_shared>> -> memref<10240x128xf32, #tpu.memory_space<vmem_shared>>
      tpu.enqueue_indirect_dma source(%arg20 : memref<96x128xf32, #tpu.memory_space<vmem>>) target(%dma_start3A_136 : memref<10240x128xf32, #tpu.memory_space<vmem_shared>>) offsets(%dma_start3A_133 : memref<96xi32, #tpu.memory_space<vmem>>) semaphore(%arg23 : memref<!tpu.dma_semaphore, #tpu.memory_space<semaphore_mem>>) {add = true}
      %get3A_137 = arith.index_cast %add3A_122 : i32 to index
      %get3A_138 = arith.constant 0 : index
      %get3A_139 = tpu.vector_load %arg18[%get3A_137, %get3A_138] {strides = array<i32>} : memref<54x96xi32, #tpu.memory_space<vmem>>, vector<16xi32>,
      tpu.vector_store_idx %arg21[%get3A_139], %broadcast_in_dim3A_1 {add = true} : memref<10240xf32, #tpu.memory_space<vmem>>[vector<16xi32>], vector<16xf32>,
      %get3A_140 = arith.index_cast %add3A_122 : i32 to index
      %get3A_141 = arith.constant 16 : index
      %get3A_142 = tpu.vector_load %arg18[%get3A_140, %get3A_141] {strides = array<i32>} : memref<54x96xi32, #tpu.memory_space<vmem>>, vector<16xi32>,
      tpu.vector_store_idx %arg21[%get3A_142], %broadcast_in_dim3A_1 {add = true} : memref<10240xf32, #tpu.memory_space<vmem>>[vector<16xi32>], vector<16xf32>,
      %get3A_143 = arith.index_cast %add3A_122 : i32 to index
      %get3A_144 = arith.constant 32 : index
      %get3A_145 = tpu.vector_load %arg18[%get3A_143, %get3A_144] {strides = array<i32>} : memref<54x96xi32, #tpu.memory_space<vmem>>, vector<16xi32>,
      tpu.vector_store_idx %arg21[%get3A_145], %broadcast_in_dim3A_1 {add = true} : memref<10240xf32, #tpu.memory_space<vmem>>[vector<16xi32>], vector<16xf32>,
      %get3A_146 = arith.index_cast %add3A_122 : i32 to index
      %get3A_147 = arith.constant 48 : index
      %get3A_148 = tpu.vector_load %arg18[%get3A_146, %get3A_147] {strides = array<i32>} : memref<54x96xi32, #tpu.memory_space<vmem>>, vector<16xi32>,
      tpu.vector_store_idx %arg21[%get3A_148], %broadcast_in_dim3A_1 {add = true} : memref<10240xf32, #tpu.memory_space<vmem>>[vector<16xi32>], vector<16xf32>,
      %get3A_149 = arith.index_cast %add3A_122 : i32 to index
      %get3A_150 = arith.constant 64 : index
      %get3A_151 = tpu.vector_load %arg18[%get3A_149, %get3A_150] {strides = array<i32>} : memref<54x96xi32, #tpu.memory_space<vmem>>, vector<16xi32>,
      tpu.vector_store_idx %arg21[%get3A_151], %broadcast_in_dim3A_1 {add = true} : memref<10240xf32, #tpu.memory_space<vmem>>[vector<16xi32>], vector<16xf32>,
      %get3A_152 = arith.index_cast %add3A_122 : i32 to index
      %get3A_153 = arith.constant 80 : index
      %get3A_154 = tpu.vector_load %arg18[%get3A_152, %get3A_153] {strides = array<i32>} : memref<54x96xi32, #tpu.memory_space<vmem>>, vector<16xi32>,
      tpu.vector_store_idx %arg21[%get3A_154], %broadcast_in_dim3A_1 {add = true} : memref<10240xf32, #tpu.memory_space<vmem>>[vector<16xi32>], vector<16xf32>,
      %dma_wait3A_155 = arith.constant 0 : i32
      %dma_wait3A_156 = tpu.memref_slice %arg18[%add3A_122, %dma_wait3A_155] : memref<54x96xi32, #tpu.memory_space<vmem>> -> memref<1x96xi32, #tpu.memory_space<vmem>>
      %dma_wait3A_157 = tpu.memref_squeeze %dma_wait3A_156 : memref<1x96xi32, #tpu.memory_space<vmem>> -> memref<96xi32, #tpu.memory_space<vmem>>
      %dma_wait3A_158 = arith.constant 0 : i32
      %dma_wait3A_159 = arith.constant 0 : i32
      %dma_wait3A_160 = tpu.memref_slice %arg16[%dma_wait3A_158, %dma_wait3A_159] : memref<10240x128xf32, #tpu.memory_space<vmem_shared>> -> memref<10240x128xf32, #tpu.memory_space<vmem_shared>>
      tpu.wait_indirect_dma semaphore(%arg23 : memref<!tpu.dma_semaphore, #tpu.memory_space<semaphore_mem>>) src(%arg20 : memref<96x128xf32, #tpu.memory_space<vmem>>) dst(%dma_wait3A_160 : memref<10240x128xf32, #tpu.memory_space<vmem_shared>>)
    }
    %scan3A_63 = arith.constant 27 : i32
    %barrier3A_64 = arith.constant 0 : index
    tpu.barrier barrier_id(%barrier3A_64)
    %mul3A_65 = arith.constant 640 : i32
    %mul3A_66 = arith.muli %arg1, %mul3A_65 : i32
    %mul3A_67 = arith.constant 640 : i32
    %mul3A_68 = arith.muli %arg1, %mul3A_67 : i32
    %run_scoped3A_69 = arith.constant 2 : i32
    "tpu.region"() ({
      %run_scoped3A_72 = tpu.sem_alloc : memref<!tpu.dma_semaphore, #tpu.memory_space<semaphore_mem>>
      %dma_start3A_73 = arith.constant 0 : i32
      %dma_start3A_74 = tpu.memref_slice %arg12[%run_scoped3A_69, %arg0, %mul3A_68, %dma_start3A_73] : memref<3x2x10240x128xf32, #tpu.memory_space<hbm>> -> memref<1x1x640x128xf32, #tpu.memory_space<hbm>>
      %dma_start3A_75 = tpu.memref_squeeze %dma_start3A_74 : memref<1x1x640x128xf32, #tpu.memory_space<hbm>> -> memref<640x128xf32, #tpu.memory_space<hbm>>
      %dma_start3A_76 = arith.constant 0 : i32
      %dma_start3A_77 = tpu.memref_slice %arg16[%mul3A_66, %dma_start3A_76] : memref<10240x128xf32, #tpu.memory_space<vmem_shared>> -> memref<640x128xf32, #tpu.memory_space<vmem_shared>>
      tpu.enqueue_dma source(%dma_start3A_77 : memref<640x128xf32, #tpu.memory_space<vmem_shared>>) target(%dma_start3A_75 : memref<640x128xf32, #tpu.memory_space<hbm>>) target_semaphore(%run_scoped3A_72 : memref<!tpu.dma_semaphore, #tpu.memory_space<semaphore_mem>>)
      %dma_wait3A = arith.constant 0 : i32
      %dma_wait3A_78 = tpu.memref_slice %arg12[%run_scoped3A_69, %arg0, %mul3A_68, %dma_wait3A] : memref<3x2x10240x128xf32, #tpu.memory_space<hbm>> -> memref<1x1x640x128xf32, #tpu.memory_space<hbm>>
      %dma_wait3A_79 = tpu.memref_squeeze %dma_wait3A_78 : memref<1x1x640x128xf32, #tpu.memory_space<hbm>> -> memref<640x128xf32, #tpu.memory_space<hbm>>
      %dma_wait3A_80 = arith.constant 0 : i32
      %dma_wait3A_81 = tpu.memref_slice %arg16[%mul3A_66, %dma_wait3A_80] : memref<10240x128xf32, #tpu.memory_space<vmem_shared>> -> memref<640x128xf32, #tpu.memory_space<vmem_shared>>
      tpu.wait_dma2 semaphore(%run_scoped3A_72 : memref<!tpu.dma_semaphore, #tpu.memory_space<semaphore_mem>>) src(%dma_wait3A_81 : memref<640x128xf32, #tpu.memory_space<vmem_shared>>) dst(%dma_wait3A_79 : memref<640x128xf32, #tpu.memory_space<hbm>>)
      tpu.yield
    }) : () -> ()
    %mul3A_70 = arith.constant 10240 : i32
    %mul3A_71 = arith.muli %add3A, %mul3A_70 : i32
    "tpu.region"() ({
      %run_scoped3A_72 = tpu.sem_alloc : memref<!tpu.dma_semaphore, #tpu.memory_space<semaphore_mem>>
      %dma_start3A_73 = tpu.memref_slice %arg15[%mul3A_71] : memref<327680xf32, #tpu.memory_space<hbm>> -> memref<10240xf32, #tpu.memory_space<hbm>>
      %dma_start3A_74 = tpu.memref_slice %arg15[%mul3A_71] : memref<327680xf32, #tpu.memory_space<hbm>> -> memref<10240xf32, #tpu.memory_space<hbm>>
      tpu.enqueue_dma source(%arg21 : memref<10240xf32, #tpu.memory_space<vmem>>) target(%dma_start3A_74 : memref<10240xf32, #tpu.memory_space<hbm>>) target_semaphore(%run_scoped3A_72 : memref<!tpu.dma_semaphore, #tpu.memory_space<semaphore_mem>>)
      %dma_wait3A = tpu.memref_slice %arg15[%mul3A_71] : memref<327680xf32, #tpu.memory_space<hbm>> -> memref<10240xf32, #tpu.memory_space<hbm>>
      %dma_wait3A_75 = tpu.memref_slice %arg15[%mul3A_71] : memref<327680xf32, #tpu.memory_space<hbm>> -> memref<10240xf32, #tpu.memory_space<hbm>>
      tpu.wait_dma2 semaphore(%run_scoped3A_72 : memref<!tpu.dma_semaphore, #tpu.memory_space<semaphore_mem>>) src(%arg21 : memref<10240xf32, #tpu.memory_space<vmem>>) dst(%dma_wait3A_75 : memref<10240xf32, #tpu.memory_space<hbm>>)
      tpu.yield
    }) : () -> ()
    return
  }
}

module attributes {stable_mosaic.version = 14 : i64} {
  func.func @_comb_body(%arg0: i32, %arg1: memref<3x2x640x128xf32, #tpu.memory_space<vmem>>, %arg2: memref<3x5x128x32xf32, #tpu.memory_space<vmem>>, %arg3: memref<128x128xf32, #tpu.memory_space<vmem>>, %arg4: memref<1x128xf32, #tpu.memory_space<vmem>>, %arg5: memref<128x128xf32, #tpu.memory_space<vmem>>, %arg6: memref<1x128xf32, #tpu.memory_space<vmem>>, %arg7: memref<128x128xf32, #tpu.memory_space<vmem>>, %arg8: memref<1x128xf32, #tpu.memory_space<vmem>>, %arg9: memref<640x128xf32, #tpu.memory_space<vmem>>, %arg10: memref<640x128xf32, #tpu.memory_space<vmem>>) attributes {dimension_semantics = [#tpu.dimension_semantics<arbitrary>], iteration_bounds = array<i64: 16>, scalar_prefetch = 0 : i64, scratch_operands = 0 : i64, tpu.core_type = #tpu.core_type<tc>, window_params = [{transform_indices = @transform_0, window_bounds = array<i64: 3, 2, 640, 128>}, {transform_indices = @transform_1, window_bounds = array<i64: 3, 5, 128, 32>}, {pipeline_mode = #tpu.pipeline_mode<synchronous>, transform_indices = @transform_2, window_bounds = array<i64: 128, 128>}, {pipeline_mode = #tpu.pipeline_mode<synchronous>, transform_indices = @transform_3, window_bounds = array<i64: 1, 128>}, {pipeline_mode = #tpu.pipeline_mode<synchronous>, transform_indices = @transform_4, window_bounds = array<i64: 128, 128>}, {pipeline_mode = #tpu.pipeline_mode<synchronous>, transform_indices = @transform_5, window_bounds = array<i64: 1, 128>}, {pipeline_mode = #tpu.pipeline_mode<synchronous>, transform_indices = @transform_6, window_bounds = array<i64: 128, 128>}, {pipeline_mode = #tpu.pipeline_mode<synchronous>, transform_indices = @transform_7, window_bounds = array<i64: 1, 128>}, {transform_indices = @transform_8, window_bounds = array<i64: 640, 128>}, {transform_indices = @transform_9, window_bounds = array<i64: 640, 128>}]} {
    %get3A = arith.constant 0 : index
    %get3A_0 = arith.constant 0 : index
    %get3A_1 = arith.constant 0 : index
    %get3A_2 = arith.constant 0 : index
    %get3A_3 = vector.load %arg1[%get3A, %get3A_0, %get3A_1, %get3A_2] : memref<3x2x640x128xf32, #tpu.memory_space<vmem>>, vector<3x2x640x128xf32>
    %get3A_4 = arith.constant 0 : index
    %get3A_5 = arith.constant 0 : index
    %get3A_6 = arith.constant 0 : index
    %get3A_7 = arith.constant 0 : index
    %get3A_8 = vector.load %arg2[%get3A_4, %get3A_5, %get3A_6, %get3A_7] : memref<3x5x128x32xf32, #tpu.memory_space<vmem>>, vector<3x5x128x32xf32>
    %reduce_sum3A = arith.constant dense<0.000000e+00> : vector<3x5x128xf32>
    %reduce_sum3A_9 = vector.multi_reduction <add>, %get3A_8, %reduce_sum3A [3] : vector<3x5x128x32xf32> to vector<3x5x128xf32>
    %reshape3A = vector.shape_cast %reduce_sum3A_9 : vector<3x5x128xf32> to vector<3x640xf32>
    %max3A = arith.constant 1.000000e+00 : f32
    %max3A_10 = vector.broadcast %max3A : f32 to vector<3x640xf32>
    %max3A_11 = arith.maximumf %reshape3A, %max3A_10 : vector<3x640xf32>
    %slice3A = vector.extract_strided_slice %get3A_3 {offsets = [0, 0, 0, 0], sizes = [1, 1, 640, 128], strides = [1, 1, 1, 1]} : vector<3x2x640x128xf32> to vector<1x1x640x128xf32>
    %squeeze3A = vector.shape_cast %slice3A : vector<1x1x640x128xf32> to vector<640x128xf32>
    %slice3A_12 = vector.extract_strided_slice %get3A_3 {offsets = [0, 1, 0, 0], sizes = [1, 1, 640, 128], strides = [1, 1, 1, 1]} : vector<3x2x640x128xf32> to vector<1x1x640x128xf32>
    %squeeze3A_13 = vector.shape_cast %slice3A_12 : vector<1x1x640x128xf32> to vector<640x128xf32>
    %add3A = arith.addf %squeeze3A, %squeeze3A_13 : vector<640x128xf32>
    %slice3A_14 = vector.extract_strided_slice %max3A_11 {offsets = [0, 0], sizes = [1, 640], strides = [1, 1]} : vector<3x640xf32> to vector<1x640xf32>
    %squeeze3A_15 = vector.shape_cast %slice3A_14 : vector<1x640xf32> to vector<640xf32>
    %broadcast_in_dim3A = vector.shape_cast %squeeze3A_15 : vector<640xf32> to vector<640x1xf32>
    %div3A = vector.broadcast %broadcast_in_dim3A : vector<640x1xf32> to vector<640x128xf32>
    %div3A_16 = arith.divf %add3A, %div3A : vector<640x128xf32>
    %slice3A_17 = vector.extract_strided_slice %get3A_3 {offsets = [1, 0, 0, 0], sizes = [1, 1, 640, 128], strides = [1, 1, 1, 1]} : vector<3x2x640x128xf32> to vector<1x1x640x128xf32>
    %squeeze3A_18 = vector.shape_cast %slice3A_17 : vector<1x1x640x128xf32> to vector<640x128xf32>
    %slice3A_19 = vector.extract_strided_slice %get3A_3 {offsets = [1, 1, 0, 0], sizes = [1, 1, 640, 128], strides = [1, 1, 1, 1]} : vector<3x2x640x128xf32> to vector<1x1x640x128xf32>
    %squeeze3A_20 = vector.shape_cast %slice3A_19 : vector<1x1x640x128xf32> to vector<640x128xf32>
    %add3A_21 = arith.addf %squeeze3A_18, %squeeze3A_20 : vector<640x128xf32>
    %slice3A_22 = vector.extract_strided_slice %max3A_11 {offsets = [1, 0], sizes = [1, 640], strides = [1, 1]} : vector<3x640xf32> to vector<1x640xf32>
    %squeeze3A_23 = vector.shape_cast %slice3A_22 : vector<1x640xf32> to vector<640xf32>
    %broadcast_in_dim3A_24 = vector.shape_cast %squeeze3A_23 : vector<640xf32> to vector<640x1xf32>
    %div3A_25 = vector.broadcast %broadcast_in_dim3A_24 : vector<640x1xf32> to vector<640x128xf32>
    %div3A_26 = arith.divf %add3A_21, %div3A_25 : vector<640x128xf32>
    %slice3A_27 = vector.extract_strided_slice %get3A_3 {offsets = [2, 0, 0, 0], sizes = [1, 1, 640, 128], strides = [1, 1, 1, 1]} : vector<3x2x640x128xf32> to vector<1x1x640x128xf32>
    %squeeze3A_28 = vector.shape_cast %slice3A_27 : vector<1x1x640x128xf32> to vector<640x128xf32>
    %slice3A_29 = vector.extract_strided_slice %get3A_3 {offsets = [2, 1, 0, 0], sizes = [1, 1, 640, 128], strides = [1, 1, 1, 1]} : vector<3x2x640x128xf32> to vector<1x1x640x128xf32>
    %squeeze3A_30 = vector.shape_cast %slice3A_29 : vector<1x1x640x128xf32> to vector<640x128xf32>
    %add3A_31 = arith.addf %squeeze3A_28, %squeeze3A_30 : vector<640x128xf32>
    %slice3A_32 = vector.extract_strided_slice %max3A_11 {offsets = [2, 0], sizes = [1, 640], strides = [1, 1]} : vector<3x640xf32> to vector<1x640xf32>
    %squeeze3A_33 = vector.shape_cast %slice3A_32 : vector<1x640xf32> to vector<640xf32>
    %broadcast_in_dim3A_34 = vector.shape_cast %squeeze3A_33 : vector<640xf32> to vector<640x1xf32>
    %div3A_35 = vector.broadcast %broadcast_in_dim3A_34 : vector<640x1xf32> to vector<640x128xf32>
    %div3A_36 = arith.divf %add3A_31, %div3A_35 : vector<640x128xf32>
    %get3A_37 = arith.constant 0 : index
    %get3A_38 = arith.constant 0 : index
    %get3A_39 = vector.load %arg3[%get3A_37, %get3A_38] : memref<128x128xf32, #tpu.memory_space<vmem>>, vector<128x128xf32>
    %dot_general3A = arith.constant dense<0.000000e+00> : vector<640x128xf32>
    %dot_general3A_40 = tpu.matmul %div3A_16, %get3A_39, %dot_general3A {dimension_numbers = #tpu.dot_dimension_numbers<[1], [0], [0], [1], [0, 0, 1, 1], [], []>, transpose_lhs_hint = false} : vector<640x128xf32>, vector<128x128xf32>, vector<640x128xf32> -> vector<640x128xf32>
    %get3A_41 = arith.constant 0 : index
    %get3A_42 = arith.constant 0 : index
    %get3A_43 = vector.load %arg7[%get3A_41, %get3A_42] : memref<128x128xf32, #tpu.memory_space<vmem>>, vector<128x128xf32>
    %dot_general3A_44 = arith.constant dense<0.000000e+00> : vector<640x128xf32>
    %dot_general3A_45 = tpu.matmul %div3A_36, %get3A_43, %dot_general3A_44 {dimension_numbers = #tpu.dot_dimension_numbers<[1], [0], [0], [1], [0, 0, 1, 1], [], []>, transpose_lhs_hint = false} : vector<640x128xf32>, vector<128x128xf32>, vector<640x128xf32> -> vector<640x128xf32>
    %add3A_46 = arith.addf %dot_general3A_40, %dot_general3A_45 : vector<640x128xf32>
    %slice3A_47 = vector.extract_strided_slice %reshape3A {offsets = [0, 0], sizes = [1, 640], strides = [1, 1]} : vector<3x640xf32> to vector<1x640xf32>
    %squeeze3A_48 = vector.shape_cast %slice3A_47 : vector<1x640xf32> to vector<640xf32>
    %broadcast_in_dim3A_49 = vector.shape_cast %squeeze3A_48 : vector<640xf32> to vector<640x1xf32>
    %gt3A = arith.constant 0.000000e+00 : f32
    %gt3A_50 = vector.broadcast %gt3A : f32 to vector<640x1xf32>
    %gt3A_51 = arith.cmpf ogt, %broadcast_in_dim3A_49, %gt3A_50 : vector<640x1xf32>
    %get3A_52 = arith.constant 0 : index
    %get3A_53 = arith.constant 0 : index
    %get3A_54 = vector.load %arg4[%get3A_52, %get3A_53] : memref<1x128xf32, #tpu.memory_space<vmem>>, vector<1x128xf32>
    %jit3A = arith.constant 0.000000e+00 : f32
    %broadcast_in_dim3A_55 = vector.shape_cast %gt3A_51 : vector<640x1xi1> to vector<640x1xi1>
    %broadcast_in_dim3A_56 = vector.broadcast %broadcast_in_dim3A_55 : vector<640x1xi1> to vector<640x128xi1>
    %broadcast_in_dim3A_57 = vector.shape_cast %get3A_54 : vector<1x128xf32> to vector<1x128xf32>
    %broadcast_in_dim3A_58 = vector.broadcast %broadcast_in_dim3A_57 : vector<1x128xf32> to vector<640x128xf32>
    %broadcast_in_dim3A_59 = vector.broadcast %jit3A : f32 to vector<640x128xf32>
    %select_n3A = arith.select %broadcast_in_dim3A_56, %broadcast_in_dim3A_58, %broadcast_in_dim3A_59 : vector<640x128xi1>, vector<640x128xf32>
    %add3A_60 = arith.addf %add3A_46, %select_n3A : vector<640x128xf32>
    %slice3A_61 = vector.extract_strided_slice %reshape3A {offsets = [2, 0], sizes = [1, 640], strides = [1, 1]} : vector<3x640xf32> to vector<1x640xf32>
    %squeeze3A_62 = vector.shape_cast %slice3A_61 : vector<1x640xf32> to vector<640xf32>
    %broadcast_in_dim3A_63 = vector.shape_cast %squeeze3A_62 : vector<640xf32> to vector<640x1xf32>
    %gt3A_64 = arith.constant 0.000000e+00 : f32
    %gt3A_65 = vector.broadcast %gt3A_64 : f32 to vector<640x1xf32>
    %gt3A_66 = arith.cmpf ogt, %broadcast_in_dim3A_63, %gt3A_65 : vector<640x1xf32>
    %get3A_67 = arith.constant 0 : index
    %get3A_68 = arith.constant 0 : index
    %get3A_69 = vector.load %arg8[%get3A_67, %get3A_68] : memref<1x128xf32, #tpu.memory_space<vmem>>, vector<1x128xf32>
    %jit3A_70 = arith.constant 0.000000e+00 : f32
    %broadcast_in_dim3A_71 = vector.shape_cast %gt3A_66 : vector<640x1xi1> to vector<640x1xi1>
    %broadcast_in_dim3A_72 = vector.broadcast %broadcast_in_dim3A_71 : vector<640x1xi1> to vector<640x128xi1>
    %broadcast_in_dim3A_73 = vector.shape_cast %get3A_69 : vector<1x128xf32> to vector<1x128xf32>
    %broadcast_in_dim3A_74 = vector.broadcast %broadcast_in_dim3A_73 : vector<1x128xf32> to vector<640x128xf32>
    %broadcast_in_dim3A_75 = vector.broadcast %jit3A_70 : f32 to vector<640x128xf32>
    %select_n3A_76 = arith.select %broadcast_in_dim3A_72, %broadcast_in_dim3A_74, %broadcast_in_dim3A_75 : vector<640x128xi1>, vector<640x128xf32>
    %add3A_77 = arith.addf %add3A_60, %select_n3A_76 : vector<640x128xf32>
    %swap3A = arith.constant 0 : index
    %swap3A_78 = arith.constant 0 : index
    %swap3A_79 = vector.load %arg9[%swap3A, %swap3A_78] : memref<640x128xf32, #tpu.memory_space<vmem>>, vector<640x128xf32>
    tpu.vector_store %arg9[%swap3A, %swap3A_78], %add3A_77 {strides = array<i32>} : memref<640x128xf32, #tpu.memory_space<vmem>>, vector<640x128xf32>,
    %get3A_80 = arith.constant 0 : index
    %get3A_81 = arith.constant 0 : index
    %get3A_82 = vector.load %arg5[%get3A_80, %get3A_81] : memref<128x128xf32, #tpu.memory_space<vmem>>, vector<128x128xf32>
    %dot_general3A_83 = arith.constant dense<0.000000e+00> : vector<640x128xf32>
    %dot_general3A_84 = tpu.matmul %div3A_26, %get3A_82, %dot_general3A_83 {dimension_numbers = #tpu.dot_dimension_numbers<[1], [0], [0], [1], [0, 0, 1, 1], [], []>, transpose_lhs_hint = false} : vector<640x128xf32>, vector<128x128xf32>, vector<640x128xf32> -> vector<640x128xf32>
    %slice3A_85 = vector.extract_strided_slice %reshape3A {offsets = [1, 0], sizes = [1, 640], strides = [1, 1]} : vector<3x640xf32> to vector<1x640xf32>
    %squeeze3A_86 = vector.shape_cast %slice3A_85 : vector<1x640xf32> to vector<640xf32>
    %broadcast_in_dim3A_87 = vector.shape_cast %squeeze3A_86 : vector<640xf32> to vector<640x1xf32>
    %gt3A_88 = arith.constant 0.000000e+00 : f32
    %gt3A_89 = vector.broadcast %gt3A_88 : f32 to vector<640x1xf32>
    %gt3A_90 = arith.cmpf ogt, %broadcast_in_dim3A_87, %gt3A_89 : vector<640x1xf32>
    %get3A_91 = arith.constant 0 : index
    %get3A_92 = arith.constant 0 : index
    %get3A_93 = vector.load %arg6[%get3A_91, %get3A_92] : memref<1x128xf32, #tpu.memory_space<vmem>>, vector<1x128xf32>
    %jit3A_94 = arith.constant 0.000000e+00 : f32
    %broadcast_in_dim3A_95 = vector.shape_cast %gt3A_90 : vector<640x1xi1> to vector<640x1xi1>
    %broadcast_in_dim3A_96 = vector.broadcast %broadcast_in_dim3A_95 : vector<640x1xi1> to vector<640x128xi1>
    %broadcast_in_dim3A_97 = vector.shape_cast %get3A_93 : vector<1x128xf32> to vector<1x128xf32>
    %broadcast_in_dim3A_98 = vector.broadcast %broadcast_in_dim3A_97 : vector<1x128xf32> to vector<640x128xf32>
    %broadcast_in_dim3A_99 = vector.broadcast %jit3A_94 : f32 to vector<640x128xf32>
    %select_n3A_100 = arith.select %broadcast_in_dim3A_96, %broadcast_in_dim3A_98, %broadcast_in_dim3A_99 : vector<640x128xi1>, vector<640x128xf32>
    %add3A_101 = arith.addf %dot_general3A_84, %select_n3A_100 : vector<640x128xf32>
    %swap3A_102 = arith.constant 0 : index
    %swap3A_103 = arith.constant 0 : index
    %swap3A_104 = vector.load %arg10[%swap3A_102, %swap3A_103] : memref<640x128xf32, #tpu.memory_space<vmem>>, vector<640x128xf32>
    tpu.vector_store %arg10[%swap3A_102, %swap3A_103], %add3A_101 {strides = array<i32>} : memref<640x128xf32, #tpu.memory_space<vmem>>, vector<640x128xf32>,
    return
  }
  func.func @transform_0(%arg0: i32) -> (i32, i32, i32, i32) {
    %c0_i32 = arith.constant 0 : i32
    %c0_i32_0 = arith.constant 0 : i32
    %c0_i32_1 = arith.constant 0 : i32
    %c0_i32_2 = arith.constant 0 : i32
    return %c0_i32, %c0_i32_0, %arg0, %c0_i32_1 : i32, i32, i32, i32
  }
  func.func @transform_1(%arg0: i32) -> (i32, i32, i32, i32) {
    %c0_i32 = arith.constant 0 : i32
    %c0_i32_0 = arith.constant 0 : i32
    %c0_i32_1 = arith.constant 0 : i32
    %c0_i32_2 = arith.constant 0 : i32
    return %c0_i32, %arg0, %c0_i32_0, %c0_i32_1 : i32, i32, i32, i32
  }
  func.func @transform_2(%arg0: i32) -> (i32, i32) {
    %c0_i32 = arith.constant 0 : i32
    %c0_i32_0 = arith.constant 0 : i32
    %c0_i32_1 = arith.constant 0 : i32
    return %c0_i32, %c0_i32_0 : i32, i32
  }
  func.func @transform_3(%arg0: i32) -> (i32, i32) {
    %c0_i32 = arith.constant 0 : i32
    %c0_i32_0 = arith.constant 0 : i32
    %c0_i32_1 = arith.constant 0 : i32
    return %c0_i32, %c0_i32_0 : i32, i32
  }
  func.func @transform_4(%arg0: i32) -> (i32, i32) {
    %c0_i32 = arith.constant 0 : i32
    %c0_i32_0 = arith.constant 0 : i32
    %c0_i32_1 = arith.constant 0 : i32
    return %c0_i32, %c0_i32_0 : i32, i32
  }
  func.func @transform_5(%arg0: i32) -> (i32, i32) {
    %c0_i32 = arith.constant 0 : i32
    %c0_i32_0 = arith.constant 0 : i32
    %c0_i32_1 = arith.constant 0 : i32
    return %c0_i32, %c0_i32_0 : i32, i32
  }
  func.func @transform_6(%arg0: i32) -> (i32, i32) {
    %c0_i32 = arith.constant 0 : i32
    %c0_i32_0 = arith.constant 0 : i32
    %c0_i32_1 = arith.constant 0 : i32
    return %c0_i32, %c0_i32_0 : i32, i32
  }
  func.func @transform_7(%arg0: i32) -> (i32, i32) {
    %c0_i32 = arith.constant 0 : i32
    %c0_i32_0 = arith.constant 0 : i32
    %c0_i32_1 = arith.constant 0 : i32
    return %c0_i32, %c0_i32_0 : i32, i32
  }
  func.func @transform_8(%arg0: i32) -> (i32, i32) {
    %c0_i32 = arith.constant 0 : i32
    %c0_i32_0 = arith.constant 0 : i32
    return %arg0, %c0_i32 : i32, i32
  }
  func.func @transform_9(%arg0: i32) -> (i32, i32) {
    %c0_i32 = arith.constant 0 : i32
    %c0_i32_0 = arith.constant 0 : i32
    return %arg0, %c0_i32 : i32, i32
  }
}

</mosaic_0001>

<sc_bundles>
// kernel: kernel.4.cloned.1.call-start
scs
__scs_entry_jumppad:
0x0: {  	(pc) =	sbr.rel $0x88, $3  }
0x1: {  	(tag) =	ssettag $0x0;
	lr =	simm.s32 $0x1  }
0x2: {  	[smem:$0x3F96] =	sst lr;
	_ =	strace $0xD0000000  }
0x3: {  	_ = 	snop  }
0x4: {  	_ = 	snop  }
0x5: {  	_ = 	snop  }
0x6: {  	_ = 	snop  }
0x7: {  	_ = 	snop  }
__scs_overlays_trampoline_lowered:
0x8: {  	[smem:$0x3FA5] =	sst s0  }
0x9: {  	[smem:$0x3FA6] =	sst s1  }
0xa: {  	[smem:$0x3FA7] =	sst s2  }
0xb: {  	[smem:$0x3FA8] =	sst s3  }
0xc: {  	[smem:$0x3FA9] =	sst s4  }
0xd: {  	[smem:$0x3FAA] =	sst s5  }
0xe: {  	[smem:$0x3FAB] =	sst s6  }
0xf: {  	[smem:$0x3FAC] =	sst s7  }
0x10: {  	[smem:$0x3FAD] =	sst s8  }
0x11: {  	[smem:$0x3FAE] =	sst s9;
	s0 =	simm.s32 @!p0 $0x0  }
0x12: {  	s1 =	sld [smem:$0x3F94];
	s0 =	simm.s32 @p0 $0x1  }
0x13: {  	[smem:$0x3FAF] =	sst s0;
	s0 =	simm.s32 @!p1 $0x0  }
0x14: {  	s2 =	sld [smem:$0x3F93];
	s0 =	simm.s32 @p1 $0x1  }
0x15: {  	[smem:$0x3FB0] =	sst s0;
	s0 =	simm.s32 @!p2 $0x0  }
0x16: {  	s3 =	sld [smem:$0x3FDB];
	s0 =	simm.s32 @p2 $0x1  }
0x17: {  	s4 =	simm.s32 $0x1BF5;
	[smem:$0x3FB2] =	sst s0  }
0x18: {  	s0 =	sld [smem:$0x3F95];
	_ =	swait.ge [sflag:s4], $0x0  }
0x19: {  	s7 =	sld [smem:$0x3F96]  }
0x1a: {  	s8 =	sadd.s32 $0xFFFFE003, lr  }
0x1b: {  	s9 =	sadd.s32 $0xFFFFFEF7, lr;
	s5 =	simm.s32 $0xFFFFFFFF;
	p2 =	slt.u32 s8, $0xFFFFF086  }
0x1c: {  	p1 =	slt.u32 s9, $0xF7A;
	s5 =	simm.s32 @!p2 $0x0  }
0x1d: {  	s5 =	simm.s32 @p1 $0x1;
	p0 =	seq.s32 s7, s2  }
0x1e: {  	s7 =	smul.u32 @!p0 $0xF7A, s2;
	p2 =	seq.s32 @!p0 s5, $0x0  }
0x1f: {  	s9 =	smul.u32 $0xF7A, s1;
	s8 =	simm.s32 @!p0 $0x1BF5;
	p2 =	por !p2, p0  }
0x20: {  	[sflag:s8] =	ssyncset.s32 @!p0 $0xFFFFF086;
	s6 =	sadd.s32 @!p0 s3, s7;
	s7 =	simm.s32 @!p0 $0x108  }
0x21: {  	s3 =	sadd.s32 s3, s9;
	s6 =	sadd.s32 @!p0 $0x88, s6;
	s7 =	simm.s32 @p2 $0x1082  }
0x22: {  	[simem:s7], [sflag:s8] =	dma.local @!p0 [hbm:s6], $0xF7A  }
0x23: {  	s9 =	sor.u32 $0xD0000000, s2;
	s6 =	simm.s32 $0x108;
	_ =	swait.ge @!p0 [sflag:s8], $0x0  }
0x24: {  	s3 =	sadd.s32 $0x88, s3;
	s6 =	simm.s32 @!p1 $0x1082;
	[sflag:s4] =	ssyncset.s32 $0xFFFFF086  }
0x25: {  	[simem:s6], [sflag:s4] =	dma.local [hbm:s3], $0xF7A  }
0x26: {  	[smem:$0x3F96] =	sst s1;
	(tag) =	ssettag s2;
	_ =	strace s9  }
0x27: {  	s1 =	sld [smem:$0x3FA6]  }
0x28: {  	s2 =	sld [smem:$0x3FA7]  }
0x29: {  	s4 =	sld [smem:$0x3FA9]  }
0x2a: {  	p0 =	seq.s32 s5, $0x0;
	s5 =	sld [smem:$0x3FAA]  }
0x2b: {  	s6 =	sld [smem:$0x3FAB]  }
0x2c: {  	s7 =	sld [smem:$0x3FAC]  }
0x2d: {  	s3 =	simm.s32 $0x108;
	s8 =	sld [smem:$0x3FAD]  }
0x2e: {  	s3 =	simm.s32 @!p0 $0x1082;
	s9 =	sld [smem:$0x3FAE]  }
0x2f: {  	lr =	sadd.s32 s0, s3;
	s0 =	sld [smem:$0x3FA5]  }
0x30: {  	s3 =	sld [smem:$0x3FA8]  }
0x31: {  	[smem:$0x3FB1] =	sst s10  }
0x32: {  	s10 =	sld [smem:$0x3FAF];
	_ =	sdelay $0x3  }
0x33: {  	p0 =	seq.s32 s10, $0x1;
	s10 =	sld [smem:$0x3FB1];
	_ =	sdelay $0x3  }
0x34: {  	[smem:$0x3FB1] =	sst s10  }
0x35: {  	s10 =	sld [smem:$0x3FB0];
	_ =	sdelay $0x3  }
0x36: {  	p1 =	seq.s32 s10, $0x1;
	s10 =	sld [smem:$0x3FB1];
	_ =	sdelay $0x3  }
0x37: {  	[smem:$0x3FB1] =	sst s10  }
0x38: {  	s10 =	sld [smem:$0x3FB2]  }
0x39: {  	_ = 	snop;
	(pc) =	sbr.ind lr, $3  }
0x3a: {  	_ = 	snop  }
0x3b: {  	_ = 	snop  }
0x3c: {  	p2 =	seq.s32 s10, $0x1;
	s10 =	sld [smem:$0x3FB1]  }
0x3d: {  	_ =	shalt  }
0x3e: {  	_ =	shalt  }
0x3f: {  	_ =	shalt  }
0x40: {  	_ =	shalt  }
0x41: {  	_ =	shalt  }
0x42: {  	_ =	shalt  }
0x43: {  	_ =	shalt  }
0x44: {  	_ =	shalt  }
0x45: {  	_ =	shalt  }
0x46: {  	_ =	shalt  }
0x47: {  	_ =	shalt  }
0x48: {  	_ =	shalt  }
0x49: {  	_ =	shalt  }
0x4a: {  	_ =	shalt  }
0x4b: {  	_ =	shalt  }
0x4c: {  	_ =	shalt  }
0x4d: {  	_ =	shalt  }
0x4e: {  	_ =	shalt  }
0x4f: {  	_ =	shalt  }
0x50: {  	_ =	shalt  }
0x51: {  	_ =	shalt  }
0x52: {  	_ =	shalt  }
0x53: {  	_ =	shalt  }
0x54: {  	_ =	shalt  }
0x55: {  	_ =	shalt  }
0x56: {  	_ =	shalt  }
0x57: {  	_ =	shalt  }
0x58: {  	_ =	shalt  }
0x59: {  	_ =	shalt  }
0x5a: {  	_ =	shalt  }
0x5b: {  	_ =	shalt  }
0x5c: {  	_ =	shalt  }
0x5d: {  	_ =	shalt  }
0x5e: {  	_ =	shalt  }
0x5f: {  	_ =	shalt  }
0x60: {  	_ =	shalt  }
0x61: {  	_ =	shalt  }
0x62: {  	_ =	shalt  }
0x63: {  	_ =	shalt  }
0x64: {  	_ =	shalt  }
0x65: {  	_ =	shalt  }
0x66: {  	_ =	shalt  }
0x67: {  	_ =	shalt  }
0x68: {  	_ =	shalt  }
0x69: {  	_ =	shalt  }
0x6a: {  	_ =	shalt  }
0x6b: {  	_ =	shalt  }
0x6c: {  	_ =	shalt  }
0x6d: {  	_ =	shalt  }
0x6e: {  	_ =	shalt  }
0x6f: {  	_ =	shalt  }
0x70: {  	_ =	shalt  }
0x71: {  	_ =	shalt  }
0x72: {  	_ =	shalt  }
0x73: {  	_ =	shalt  }
0x74: {  	_ =	shalt  }
0x75: {  	_ =	shalt  }
0x76: {  	_ =	shalt  }
0x77: {  	_ =	shalt  }
0x78: {  	_ =	shalt  }
0x79: {  	_ =	shalt  }
0x7a: {  	_ =	shalt  }
0x7b: {  	_ =	shalt  }
0x7c: {  	_ =	shalt  }
0x7d: {  	_ =	shalt  }
0x7e: {  	_ =	shalt  }
0x7f: {  	_ =	shalt  }
0x80: {  	_ =	shalt  }
0x81: {  	_ =	shalt  }
0x82: {  	_ =	shalt  }
0x83: {  	_ =	shalt  }
0x84: {  	_ =	shalt  }
0x85: {  	_ =	shalt  }
0x86: {  	_ =	shalt  }
0x87: {  	_ =	shalt  }
.Lfunc_end0:
.L_simem_size_0:
called_computation_lowered:
.L_overlay_start_0:
0x88: {  	s2 =	sld [smem:$0x3FD9]  }
0x89: {  	s3 =	sld [smem:$0x3FFE];
	_ =	sdelay $0x1  }
0x8a: {  	s1 =	srdreg.scid  }
0x8b: {  	s0 =	sand.u32 $0x1, s1  }
0x8c: {  	s14 =	sshll.u32 s0, $0xA;
	s2 =	sadd.s32 s3, s2  }
0x8d: {  	s2 =	sadd.s32 s2, s14  }
0x8e: {  	[smem:$0x3FBD] =	sst s2  }
0x8f: {  	_ = 	snop  }
0x90: {  	s2 =	sld [smem:$0x3FD0];
	_ =	sdelay $0x1  }
0x91: {  	s15 =	sld [smem:$0x3FC9]  }
0x92: {  	s5 =	simm.s32 $0xA;
	s6 =	simm.s32 $0x10;
	s4 =	sld [smem:$0x3FC8]  }
0x93: {  	[smem:s6], [sflag:s5] =	dma.local [hbm:s2], $0x1  }
0x94: {  	_ =	swait.eq [sflag:s5], $0x1  }
0x95: {  	[sflag:s5] =	ssyncset.done $0x0  }
0x96: {  	s16 =	sld [smem:$0x10];
	[sflag:s5] =	ssyncadd.s32 $0xFFFFFFFF  }
0x97: {  	s17 =	sld [smem:$0x11];
	(tm) =	ssettm $0x1  }
0x98: {  	s18 =	sld [smem:$0x3FFB];
	_ =	sdelay $0x3  }
0x99: {  	_ =	strace s18  }
0x9a: {  	s6 =	sld [smem:$0x3FFC];
	_ =	sdelay $0x3  }
0x9b: {  	_ =	strace s6  }
0x9c: {  	s6 =	sld [smem:$0x3FFD];
	_ =	sdelay $0x3  }
0x9d: {  	_ =	strace s6  }
0x9e: {  	_ =	strace $0x8FFFFFFF  }
0x9f: {  	s19 =	sld [smem:$0x3FDB];
	_ =	sdelay $0x1  }
0xa0: {  	s7 =	simm.s32 $_scs_section_size  }
0xa1: {  	s8 =	simm.s32 $_size__tile_overlayer_lowered;
	s9 =	simm.s32 $_tile_overlayer_lowered  }
0xa2: {  	s22 =	simm.s32 $0x1BFF;
	s21 =	sshll.u32 s9, $0x1;
	s6 =	sadd.s32 s7, s19  }
0xa3: {  	s10 =	simm.s32 $0x0;
	s20 =	sshll.u32 s8, $0x1;
	s8 =	sadd.s32 s21, s6  }
0xa4: {  	[timem:s10], [sflag:s22] =	dma.local [hbm:s8], s20  }
0xa5: {  	_ =	swait.ge [sflag:s22], s20  }
0xa6: {  	s7 =	ssub.s32 $0x0, s20;
	[sflag:s22] =	ssyncset.done $0x0  }
0xa7: {  	[sflag:s22] =	ssyncadd.s32 s7;
	_ =	sdelay $0x1  }
0xa8: {  	s23 =	simm.s32 $0x1B8B  }
0xa9: {  	_ =	swait.ge [sflag:s23], $0x1  }
0xaa: {  	[sflag:s23] =	ssyncset.done $0x0  }
0xab: {  	s25 =	simm.s32 $0x1B8E;
	s24 =	sld [smem:$0x3FFE];
	[sflag:s23] =	ssyncadd.s32 $0xFFFFFFFF  }
0xac: {  	s26 =	simm.s32 $execute0_lowered;
	[smem:$0x3FD2] =	sst s25  }
0xad: {  	s8 =	sshll.u32 s26, $0x1;
	_ =	strace $0x80000046;
	[dreg:$0x1] =	wrdreg $0xFFFFFFFF  }
0xae: {  	s28 =	simm.s32 $_size_execute0_lowered;
	s6 =	sadd.s32 s6, s8;
	[dreg:$0x0] =	wrdreg $0x0  }
0xaf: {  	s8 =	sshll.u32 s28, $0x1;
	[dreg:$0x2] =	wrdreg s6  }
0xb0: {  	[dreg:$0x3] =	wrdreg s8  }
0xb1: {  	[dreg:$0x4] =	wrdreg $0xC0  }
0xb2: {  	_ =	task [dreg:s10], $0x5FFFF  }
0xb3: {  	[dreg:$0x1] =	wrdreg $0xFFFFFFFF  }
0xb4: {  	[dreg:$0x0] =	wrdreg $0x60  }
0xb5: {  	[dreg:$0x2] =	wrdreg s15  }
0xb6: {  	[dreg:$0x3] =	wrdreg s4  }
0xb7: {  	[dreg:$0x4] =	wrdreg s24  }
0xb8: {  	[dreg:$0x5] =	wrdreg s17  }
0xb9: {  	[dreg:$0x6] =	wrdreg s16  }
0xba: {  	[dreg:$0x7] =	wrdreg $0x0  }
0xbb: {  	[dreg:$0x8] =	wrdreg $0x9  }
0xbc: {  	_ =	task.clear_ibuf [dreg:s10], $0x9FFFF;
	_ =	strace $0x90000046  }
0xbd: {  	s29 =	simm.s32 $0x9;
	_ =	strace $0x80000048  }
0xbe: {  	_ =	swait.ge [sflag:s29], $0x1  }
0xbf: {  	[sflag:s29] =	ssyncadd.s32 $0xFFFFFFFF  }
0xc0: {  	_ =	strace $0x90000048  }
0xc1: {  	_ =	sfence  }
0xc2: {  	s30 =	sld [smem:$0x0];
	_ =	sdelay $0x2  }
0xc3: {  	s31 =	sshll.u32 s1, $0xD;
	s1 =	sshrl.u32 s1, $0x2  }
0xc4: {  	s3 =	sand.u32 $0x4000, s31;
	s1 =	sadd.s32 s1, s30  }
0xc5: {  	s0 =	sor.u32 s3, s0;
	s1 =	sshll.u32 s1, $0x11  }
0xc6: {  	s0 =	sor.u32 s1, s0  }
0xc7: {  	s0 =	sadd.s32 $0x8F2B, s0  }
0xc8: {  	[sflag:s0] =	ssyncadd.remote.s32 $0x1  }
0xc9: {  	_ =	sfence.sel $0xFFFF  }
0xca: {  	[dreg:$0x0] =	wrdreg $0xFFFFFFFF;
	(pc) =	sbr.abs _section_cstart, $3  }
0xcb: {  	[dreg:$0x1] =	wrdreg $0xFFFFFFFF  }
0xcc: {  	_ =	task.clear_ibuf [dreg:s10], $0x2FFFF;
	_ =	strace $0x9FFFFFFF  }
0xcd: {  	(tm) =	ssettm $0x7FFFFFFF  }
tec
execute0_lowered:
.L_overlay_start_1:
0x0: {  	(tag) =	ssettag $0x1  }
0x1: {  	s0 =	rddreg [dreg:$0x0]  }
0x2: {  	s1 =	rddreg [dreg:$0x1]  }
0x3: {  	s2 =	srdreg.scid;
	s3 =	rddreg [dreg:$0x2]  }
0x4: {  	s8 =	rddreg [dreg:$0x3];
	s14 =	stileid.u32  }
0x5: {  	s9 =	rddreg [dreg:$0x4];
	s5 =	simm.s32 $0x0;
	s28 =	simm.s32 $0x17080  }
0x6: {  	s29 =	simm.s32 $0x1A080;
	s30 =	simm.s32 $0x1;
	s31 =	simm.s32 $0x2  }
0x7: {  	s2 =	sand.u32 $0x1, s2;
	[smem:$0x7FF] =	sst s5;
	s12 =	smul.u32 $0x14000, s14  }
0x8: {  	s7 =	sadd.s32 $0x24600, s3;
	s4 =	sshll.u32 s2, $0x4;
	s11 =	smul.u32 $0x140000, s2  }
0x9: {  	s2 =	ssub.s32 $0x2, s2;
	s10 =	sor.u32 s14, s4;
	s14 =	smul.u32 $0x50000, s14  }
0xa: {  	s4 =	rddreg [dreg:$0x5];
	_ =	strace $0x80000047;
	s6 =	smul.u32 $0x288, s10  }
0xb: {  	s15 =	sshrl.u32 s2, $0x1;
	s11 =	sadd.s32 s12, s11;
	s19 =	smul.u32 $0x500, s10  }
0xc: {  	s10 =	smul.u32 $0x380, s10;
	s2 =	ssub.s32 s2, s15;
	s11 =	sshrl.u32 s11, $0x3  }
0xd: {  	s14 =	sshrl.u32 s14, $0x2;
	s13 =	sadd.s32 s6, s3;
	s6 =	sadd.s32 $0x24C00, s3  }
0xe: {  	s11 =	sadd.s32 s11, s3;
	s20 =	sadd.s32 s19, s3;
	s14 =	sadd.s32 s14, s4  }
0xf: {  	s10 =	sadd.s32 s3, s10;
	s23 =	sadd.s32 s8, s19;
	[dreg:$0x7] =	wrdreg s14  }
0x10: {  	s17 =	sadd.s32 s9, s19;
	s21 =	sadd.s32 $0x7000, s13;
	[dreg:$0xb] =	wrdreg s23  }
0x11: {  	s8 =	simm.s32 $0x16F00;
	s3 =	sadd.s32 $0x1D600, s10;
	[dreg:$0x8] =	wrdreg s21  }
0x12: {  	s9 =	simm.s32 $0x0;
	s22 =	sadd.s32 $0x31400, s11;
	[dreg:$0x9] =	wrdreg s3  }
0x13: {  	s24 =	sadd.s32 $0x11400, s13;
	s25 =	sadd.s32 $0x16600, s10;
	[dreg:$0xa] =	wrdreg s22  }
0x14: {  	s26 =	sadd.s32 $0x81400, s11;
	s18 =	sadd.s32 $0xC200, s13;
	[dreg:$0xc] =	wrdreg s24  }
0x15: {  	s19 =	sadd.s32 $0xD1400, s11;
	s20 =	sadd.s32 $0x27400, s20;
	[dreg:$0xd] =	wrdreg s25  }
0x16: {  	s23 =	simm.s32 $0x3;
	[dreg:$0xe] =	wrdreg s26;
	s21 =	smax.u32 s2, $0x1  }
0x17: {  	s22 =	simm.s32 $0x1D080;
	s24 =	simm.s32 $0x14000;
	s25 =	simm.s32 $0x15480  }
0x18: {  	v0 =	vimm.f32 $1.000000000e+00;
	s26 =	simm.s32 $0x60;
	s3 =	simm.s32 $0x153E0;
	s2 =	simm.s32 $0x16E80  }
.LBB2_1:
0x19: {  	[tilespmem:s22], [sflag:$0x3] =	stream.linear.gather [hbm4b:s7+s5], $0x2800, $0x38;
	[tilespmem:$0x1F880] =	vst v63  }
0x1a: {  	s11 =	stileid.u32;
	_ =	swait.ge [sflag:s23], $0x2800  }
0x1b: {  	s11 =	sshll.u32 s11, $0x6;
	[sflag:s23] =	ssyncset.done $0x0;
	s12 =	rddreg [dreg:$0x7]  }
0x1c: {  	s11 =	sor.u32 $0x1C03, s11;
	[sflag:s23] =	ssyncadd.s32 $0xFFFFD800;
	s12 =	sshrl.u32 s12, $0x3  }
0x1d: {  	[spmem:s12], [sflag:s11] =	dma.local [hbm:s6], $0x2800  }
0x1e: {  	_ =	swait.ge [sflag:s23], $0x2800  }
0x1f: {  	[sflag:s23] =	ssyncset.done $0x0  }
0x20: {  	s13 =	rddreg [dreg:$0x8];
	[sflag:s23] =	ssyncadd.s32 $0xFFFFD800  }
0x21: {  	[tilespmem:s24], [sflag:$0x3] =	stream.linear.gather [hbm4b:s13+s5], $0x1440, $0x38;
	[tilespmem:$0x1F880] =	vst v63  }
0x22: {  	_ =	swait.ge [sflag:s23], $0x1440  }
0x23: {  	[sflag:s23] =	ssyncset.done $0x0  }
0x24: {  	s16 =	rddreg [dreg:$0x9];
	[sflag:s23] =	ssyncadd.s32 $0xFFFFEBC0  }
0x25: {  	[tilespmem:s25], [sflag:$0x3] =	stream.linear.gather [hbm4b:s16+s5], $0x1B00, $0x38;
	[tilespmem:$0x1F880] =	vst v63  }
0x26: {  	_ =	swait.ge [sflag:s23], $0x1B00  }
0x27: {  	[sflag:s23] =	ssyncset.done $0x0  }
0x28: {  	[sflag:s23] =	ssyncadd.s32 $0xFFFFE500  }
0x29: {  	s14 =	simm.s32 $0x15500;
	s13 =	simm.s32 $0xFFFFB200;
	[bflag:$0x0] =	sbarrier.arrive $0xFFFF  }
0x2a: {  	[tilespmem:s28], [sflag:$0x1] =	stream.indirect.gather [hbm4b:s0+s26], $0x80, s24, s26, $0xb8;
	[tilespmem:$0x1F880] =	vst v63  }
.LBB2_2:
0x2b: {  	s15 =	sshra.s32 s13, $0x2  }
0x2c: {  	s16 =	sadd.s32 $0x153E0, s15  }
0x2d: {  	[tilespmem:s29], [sflag:$0x1] =	stream.indirect.gather [hbm4b:s0+s26], $0x80, s16, s26, $0xb8;
	[tilespmem:$0x1F880] =	vst v63  }
0x2e: {  	_ =	swait.ge [sflag:s30], $0x3000  }
0x2f: {  	[sflag:s30] =	ssyncset.done $0x0  }
0x30: {  	s16 =	sadd.s32 $0xFFFFFF80, s14;
	[sflag:s30] =	ssyncadd.s32 $0xFFFFD000  }
0x31: {  	[spmem:s4] =	stream.indirect.scatter.add.f32 [tilespmem:s28], [sflag:$0x2], $0x80, s16, s26, $0xb8;
	[tilespmem:$0x1F880] =	vst v63  }
0x32: {  	v1 =	vld [tilespmem:s14+$0xFFFFFF80];
	_ =	sdelay $0x7  }
0x33: {  	[tilespmem:v1+s22+$0x0] =	vst.idx.add.f32.msk $0xffff, v0  }
0x34: {  	v1 =	vld [tilespmem:s14+$0xFFFFFF90];
	_ =	sdelay $0x7  }
0x35: {  	[tilespmem:v1+s22+$0x0] =	vst.idx.add.f32.msk $0xffff, v0  }
0x36: {  	v1 =	vld [tilespmem:s14+$0xFFFFFFA0];
	_ =	sdelay $0x7  }
0x37: {  	[tilespmem:v1+s22+$0x0] =	vst.idx.add.f32.msk $0xffff, v0  }
0x38: {  	v1 =	vld [tilespmem:s14+$0xFFFFFFB0];
	_ =	sdelay $0x7  }
0x39: {  	[tilespmem:v1+s22+$0x0] =	vst.idx.add.f32.msk $0xffff, v0  }
0x3a: {  	v1 =	vld [tilespmem:s14+$0xFFFFFFC0];
	_ =	sdelay $0x7  }
0x3b: {  	[tilespmem:v1+s22+$0x0] =	vst.idx.add.f32.msk $0xffff, v0  }
0x3c: {  	v1 =	vld [tilespmem:s14+$0xFFFFFFD0];
	_ =	sdelay $0x7  }
0x3d: {  	[tilespmem:v1+s22+$0x0] =	vst.idx.add.f32.msk $0xffff, v0  }
0x3e: {  	_ =	swait.ge [sflag:s31], $0x3000  }
0x3f: {  	[sflag:s31] =	ssyncset.done $0x0  }
0x40: {  	s15 =	sadd.s32 $0x15440, s15;
	[sflag:s31] =	ssyncadd.s32 $0xFFFFD000  }
0x41: {  	[tilespmem:s28], [sflag:$0x1] =	stream.indirect.gather [hbm4b:s0+s26], $0x80, s15, s26, $0xb8;
	[tilespmem:$0x1F880] =	vst v63  }
0x42: {  	_ =	swait.ge [sflag:s30], $0x3000  }
0x43: {  	[sflag:s30] =	ssyncset.done $0x0  }
0x44: {  	[sflag:s30] =	ssyncadd.s32 $0xFFFFD000  }
0x45: {  	[spmem:s4] =	stream.indirect.scatter.add.f32 [tilespmem:s29], [sflag:$0x2], $0x80, s14, s26, $0xb8;
	[tilespmem:$0x1F880] =	vst v63  }
0x46: {  	v1 =	vld [tilespmem:s14+$0x0];
	_ =	sdelay $0x7  }
0x47: {  	[tilespmem:v1+s22+$0x0] =	vst.idx.add.f32.msk $0xffff, v0  }
0x48: {  	v1 =	vld [tilespmem:s14+$0x10];
	_ =	sdelay $0x7  }
0x49: {  	[tilespmem:v1+s22+$0x0] =	vst.idx.add.f32.msk $0xffff, v0  }
0x4a: {  	v1 =	vld [tilespmem:s14+$0x20];
	_ =	sdelay $0x7  }
0x4b: {  	[tilespmem:v1+s22+$0x0] =	vst.idx.add.f32.msk $0xffff, v0  }
0x4c: {  	v1 =	vld [tilespmem:s14+$0x30];
	_ =	sdelay $0x7  }
0x4d: {  	[tilespmem:v1+s22+$0x0] =	vst.idx.add.f32.msk $0xffff, v0  }
0x4e: {  	v1 =	vld [tilespmem:s14+$0x40];
	_ =	sdelay $0x7  }
0x4f: {  	[tilespmem:v1+s22+$0x0] =	vst.idx.add.f32.msk $0xffff, v0  }
0x50: {  	v1 =	vld [tilespmem:s14+$0x50];
	_ =	sdelay $0x5  }
0x51: {  	p0 =	sne.s32 s13, $0xFFFFFD00  }
.Ltmp0:
0x52: {  	_ = 	snop;
	(pc) =	sbr.rel @p0 .LBB2_2-.Ltmp0, $4  }
0x53: {  	[tilespmem:v1+s22+$0x0] =	vst.idx.add.f32.msk $0xffff, v0  }
0x54: {  	_ =	swait.ge [sflag:s31], $0x3000  }
0x55: {  	[sflag:s31] =	ssyncset.done $0x0  }
0x56: {  	s13 =	sadd.s32 $0x300, s13;
	s14 =	sadd.s32 $0x100, s14;
	[sflag:s31] =	ssyncadd.s32 $0xFFFFD000  }
0x57: {  	[tilespmem:s29], [sflag:$0x1] =	stream.indirect.gather [hbm4b:s0+s26], $0x80, s3, s26, $0xb8;
	[tilespmem:$0x1F880] =	vst v63  }
0x58: {  	_ =	swait.ge [sflag:s30], $0x3000  }
0x59: {  	[sflag:s30] =	ssyncset.done $0x0  }
0x5a: {  	[sflag:s30] =	ssyncadd.s32 $0xFFFFD000  }
0x5b: {  	[spmem:s4] =	stream.indirect.scatter.add.f32 [tilespmem:s28], [sflag:$0x2], $0x80, s2, s26, $0xb8;
	[tilespmem:$0x1F880] =	vst v63  }
0x5c: {  	v1 =	vld [tilespmem:$0x16E80];
	_ =	sdelay $0x7  }
0x5d: {  	[tilespmem:v1+s22+$0x0] =	vst.idx.add.f32.msk $0xffff, v0  }
0x5e: {  	v1 =	vld [tilespmem:$0x16E90];
	_ =	sdelay $0x7  }
0x5f: {  	[tilespmem:v1+s22+$0x0] =	vst.idx.add.f32.msk $0xffff, v0  }
0x60: {  	v1 =	vld [tilespmem:$0x16EA0];
	_ =	sdelay $0x7  }
0x61: {  	[tilespmem:v1+s22+$0x0] =	vst.idx.add.f32.msk $0xffff, v0  }
0x62: {  	v1 =	vld [tilespmem:$0x16EB0];
	_ =	sdelay $0x7  }
0x63: {  	[tilespmem:v1+s22+$0x0] =	vst.idx.add.f32.msk $0xffff, v0  }
0x64: {  	v1 =	vld [tilespmem:$0x16EC0];
	_ =	sdelay $0x7  }
0x65: {  	[tilespmem:v1+s22+$0x0] =	vst.idx.add.f32.msk $0xffff, v0  }
0x66: {  	v1 =	vld [tilespmem:$0x16ED0];
	_ =	sdelay $0x7  }
0x67: {  	[tilespmem:v1+s22+$0x0] =	vst.idx.add.f32.msk $0xffff, v0  }
0x68: {  	_ =	swait.ge [sflag:s31], $0x3000  }
0x69: {  	[sflag:s31] =	ssyncset.done $0x0  }
0x6a: {  	[sflag:s31] =	ssyncadd.s32 $0xFFFFD000  }
0x6b: {  	_ =	swait.ge [sflag:s30], $0x3000  }
0x6c: {  	[sflag:s30] =	ssyncset.done $0x0  }
0x6d: {  	[sflag:s30] =	ssyncadd.s32 $0xFFFFD000  }
0x6e: {  	[spmem:s4] =	stream.indirect.scatter.add.f32 [tilespmem:s29], [sflag:$0x2], $0x80, s8, s26, $0xb8;
	[tilespmem:$0x1F880] =	vst v63  }
0x6f: {  	v1 =	vld [tilespmem:$0x16F00];
	_ =	sdelay $0x7  }
0x70: {  	[tilespmem:v1+s22+$0x0] =	vst.idx.add.f32.msk $0xffff, v0  }
0x71: {  	v1 =	vld [tilespmem:$0x16F10];
	_ =	sdelay $0x7  }
0x72: {  	[tilespmem:v1+s22+$0x0] =	vst.idx.add.f32.msk $0xffff, v0  }
0x73: {  	v1 =	vld [tilespmem:$0x16F20];
	_ =	sdelay $0x7  }
0x74: {  	[tilespmem:v1+s22+$0x0] =	vst.idx.add.f32.msk $0xffff, v0  }
0x75: {  	v1 =	vld [tilespmem:$0x16F30];
	_ =	sdelay $0x7  }
0x76: {  	[tilespmem:v1+s22+$0x0] =	vst.idx.add.f32.msk $0xffff, v0  }
0x77: {  	v1 =	vld [tilespmem:$0x16F40];
	_ =	sdelay $0x7  }
0x78: {  	[tilespmem:v1+s22+$0x0] =	vst.idx.add.f32.msk $0xffff, v0  }
0x79: {  	v1 =	vld [tilespmem:$0x16F50];
	_ =	sdelay $0x7  }
0x7a: {  	[tilespmem:v1+s22+$0x0] =	vst.idx.add.f32.msk $0xffff, v0  }
0x7b: {  	_ =	swait.ge [sflag:s31], $0x3000  }
0x7c: {  	[sflag:s31] =	ssyncset.done $0x0  }
0x7d: {  	[sflag:s31] =	ssyncadd.s32 $0xFFFFD000  }
0x7e: {  	[bflag:$0x0] =	sbarrier.arrive $0xFFFF  }
0x7f: {  	s13 =	rddreg [dreg:$0xa]  }
0x80: {  	[hbm:s13], [sflag:s11] =	dma.local [spmem:s12], $0x2800  }
0x81: {  	_ =	swait.ge [sflag:s23], $0x2800  }
0x82: {  	[sflag:s23] =	ssyncset.done $0x0  }
0x83: {  	s14 =	rddreg [dreg:$0xb];
	[sflag:s23] =	ssyncadd.s32 $0xFFFFD800  }
0x84: {  	[hbm4b:s14+s5] =	stream.linear.scatter [tilespmem:s22], [sflag:$0x3], $0x2800, $0x38;
	[tilespmem:$0x1F880] =	vst v63  }
0x85: {  	_ =	swait.ge [sflag:s23], $0x2800  }
0x86: {  	[sflag:s23] =	ssyncset.done $0x0  }
0x87: {  	[sflag:s23] =	ssyncadd.s32 $0xFFFFD800  }
0x88: {  	[tilespmem:s22], [sflag:$0x3] =	stream.linear.gather [hbm4b:s7+s5], $0x2800, $0x38;
	[tilespmem:$0x1F880] =	vst v63  }
0x89: {  	_ =	swait.ge [sflag:s23], $0x2800  }
0x8a: {  	[sflag:s23] =	ssyncset.done $0x0  }
0x8b: {  	[sflag:s23] =	ssyncadd.s32 $0xFFFFD800  }
0x8c: {  	[spmem:s12], [sflag:s11] =	dma.local [hbm:s6], $0x2800  }
0x8d: {  	_ =	swait.ge [sflag:s23], $0x2800  }
0x8e: {  	[sflag:s23] =	ssyncset.done $0x0  }
0x8f: {  	s15 =	rddreg [dreg:$0xc];
	[sflag:s23] =	ssyncadd.s32 $0xFFFFD800  }
0x90: {  	[tilespmem:s24], [sflag:$0x3] =	stream.linear.gather [hbm4b:s15+s5], $0x1440, $0x38;
	[tilespmem:$0x1F880] =	vst v63  }
0x91: {  	_ =	swait.ge [sflag:s23], $0x1440  }
0x92: {  	[sflag:s23] =	ssyncset.done $0x0  }
0x93: {  	s16 =	rddreg [dreg:$0xd];
	[sflag:s23] =	ssyncadd.s32 $0xFFFFEBC0  }
0x94: {  	[tilespmem:s25], [sflag:$0x3] =	stream.linear.gather [hbm4b:s16+s5], $0x1B00, $0x38;
	[tilespmem:$0x1F880] =	vst v63  }
0x95: {  	_ =	swait.ge [sflag:s23], $0x1B00  }
0x96: {  	[sflag:s23] =	ssyncset.done $0x0  }
0x97: {  	[sflag:s23] =	ssyncadd.s32 $0xFFFFE500  }
0x98: {  	s13 =	simm.s32 $0xFFFFB200;
	s14 =	simm.s32 $0x15500;
	[bflag:$0x0] =	sbarrier.arrive $0xFFFF  }
0x99: {  	[tilespmem:s28], [sflag:$0x1] =	stream.indirect.gather [hbm4b:s0+s26], $0x80, s24, s26, $0xb8;
	[tilespmem:$0x1F880] =	vst v63  }
.LBB2_4:
0x9a: {  	s15 =	sshra.s32 s13, $0x2  }
0x9b: {  	s16 =	sadd.s32 $0x153E0, s15  }
0x9c: {  	[tilespmem:s29], [sflag:$0x1] =	stream.indirect.gather [hbm4b:s0+s26], $0x80, s16, s26, $0xb8;
	[tilespmem:$0x1F880] =	vst v63  }
0x9d: {  	_ =	swait.ge [sflag:s30], $0x3000  }
0x9e: {  	[sflag:s30] =	ssyncset.done $0x0  }
0x9f: {  	s16 =	sadd.s32 $0xFFFFFF80, s14;
	[sflag:s30] =	ssyncadd.s32 $0xFFFFD000  }
0xa0: {  	[spmem:s4] =	stream.indirect.scatter.add.f32 [tilespmem:s28], [sflag:$0x2], $0x80, s16, s26, $0xb8;
	[tilespmem:$0x1F880] =	vst v63  }
0xa1: {  	v1 =	vld [tilespmem:s14+$0xFFFFFF80];
	_ =	sdelay $0x7  }
0xa2: {  	[tilespmem:v1+s22+$0x0] =	vst.idx.add.f32.msk $0xffff, v0  }
0xa3: {  	v1 =	vld [tilespmem:s14+$0xFFFFFF90];
	_ =	sdelay $0x7  }
0xa4: {  	[tilespmem:v1+s22+$0x0] =	vst.idx.add.f32.msk $0xffff, v0  }
0xa5: {  	v1 =	vld [tilespmem:s14+$0xFFFFFFA0];
	_ =	sdelay $0x7  }
0xa6: {  	[tilespmem:v1+s22+$0x0] =	vst.idx.add.f32.msk $0xffff, v0  }
0xa7: {  	v1 =	vld [tilespmem:s14+$0xFFFFFFB0];
	_ =	sdelay $0x7  }
0xa8: {  	[tilespmem:v1+s22+$0x0] =	vst.idx.add.f32.msk $0xffff, v0  }
0xa9: {  	v1 =	vld [tilespmem:s14+$0xFFFFFFC0];
	_ =	sdelay $0x7  }
0xaa: {  	[tilespmem:v1+s22+$0x0] =	vst.idx.add.f32.msk $0xffff, v0  }
0xab: {  	v1 =	vld [tilespmem:s14+$0xFFFFFFD0];
	_ =	sdelay $0x7  }
0xac: {  	[tilespmem:v1+s22+$0x0] =	vst.idx.add.f32.msk $0xffff, v0  }
0xad: {  	_ =	swait.ge [sflag:s31], $0x3000  }
0xae: {  	[sflag:s31] =	ssyncset.done $0x0  }
0xaf: {  	s15 =	sadd.s32 $0x15440, s15;
	[sflag:s31] =	ssyncadd.s32 $0xFFFFD000  }
0xb0: {  	[tilespmem:s28], [sflag:$0x1] =	stream.indirect.gather [hbm4b:s0+s26], $0x80, s15, s26, $0xb8;
	[tilespmem:$0x1F880] =	vst v63  }
0xb1: {  	_ =	swait.ge [sflag:s30], $0x3000  }
0xb2: {  	[sflag:s30] =	ssyncset.done $0x0  }
0xb3: {  	[sflag:s30] =	ssyncadd.s32 $0xFFFFD000  }
0xb4: {  	[spmem:s4] =	stream.indirect.scatter.add.f32 [tilespmem:s29], [sflag:$0x2], $0x80, s14, s26, $0xb8;
	[tilespmem:$0x1F880] =	vst v63  }
0xb5: {  	v1 =	vld [tilespmem:s14+$0x0];
	_ =	sdelay $0x7  }
0xb6: {  	[tilespmem:v1+s22+$0x0] =	vst.idx.add.f32.msk $0xffff, v0  }
0xb7: {  	v1 =	vld [tilespmem:s14+$0x10];
	_ =	sdelay $0x7  }
0xb8: {  	[tilespmem:v1+s22+$0x0] =	vst.idx.add.f32.msk $0xffff, v0  }
0xb9: {  	v1 =	vld [tilespmem:s14+$0x20];
	_ =	sdelay $0x7  }
0xba: {  	[tilespmem:v1+s22+$0x0] =	vst.idx.add.f32.msk $0xffff, v0  }
0xbb: {  	v1 =	vld [tilespmem:s14+$0x30];
	_ =	sdelay $0x7  }
0xbc: {  	[tilespmem:v1+s22+$0x0] =	vst.idx.add.f32.msk $0xffff, v0  }
0xbd: {  	v1 =	vld [tilespmem:s14+$0x40];
	_ =	sdelay $0x7  }
0xbe: {  	[tilespmem:v1+s22+$0x0] =	vst.idx.add.f32.msk $0xffff, v0  }
0xbf: {  	v1 =	vld [tilespmem:s14+$0x50];
	_ =	sdelay $0x5  }
0xc0: {  	p0 =	sne.s32 s13, $0xFFFFFD00  }
.Ltmp1:
0xc1: {  	_ = 	snop;
	(pc) =	sbr.rel @p0 .LBB2_4-.Ltmp1, $4  }
0xc2: {  	[tilespmem:v1+s22+$0x0] =	vst.idx.add.f32.msk $0xffff, v0  }
0xc3: {  	_ =	swait.ge [sflag:s31], $0x3000  }
0xc4: {  	[sflag:s31] =	ssyncset.done $0x0  }
0xc5: {  	s13 =	sadd.s32 $0x300, s13;
	s14 =	sadd.s32 $0x100, s14;
	[sflag:s31] =	ssyncadd.s32 $0xFFFFD000  }
0xc6: {  	[tilespmem:s29], [sflag:$0x1] =	stream.indirect.gather [hbm4b:s0+s26], $0x80, s3, s26, $0xb8;
	[tilespmem:$0x1F880] =	vst v63  }
0xc7: {  	_ =	swait.ge [sflag:s30], $0x3000  }
0xc8: {  	[sflag:s30] =	ssyncset.done $0x0  }
0xc9: {  	[sflag:s30] =	ssyncadd.s32 $0xFFFFD000  }
0xca: {  	[spmem:s4] =	stream.indirect.scatter.add.f32 [tilespmem:s28], [sflag:$0x2], $0x80, s2, s26, $0xb8;
	[tilespmem:$0x1F880] =	vst v63  }
0xcb: {  	v1 =	vld [tilespmem:$0x16E80];
	_ =	sdelay $0x7  }
0xcc: {  	[tilespmem:v1+s22+$0x0] =	vst.idx.add.f32.msk $0xffff, v0  }
0xcd: {  	v1 =	vld [tilespmem:$0x16E90];
	_ =	sdelay $0x7  }
0xce: {  	[tilespmem:v1+s22+$0x0] =	vst.idx.add.f32.msk $0xffff, v0  }
0xcf: {  	v1 =	vld [tilespmem:$0x16EA0];
	_ =	sdelay $0x7  }
0xd0: {  	[tilespmem:v1+s22+$0x0] =	vst.idx.add.f32.msk $0xffff, v0  }
0xd1: {  	v1 =	vld [tilespmem:$0x16EB0];
	_ =	sdelay $0x7  }
0xd2: {  	[tilespmem:v1+s22+$0x0] =	vst.idx.add.f32.msk $0xffff, v0  }
0xd3: {  	v1 =	vld [tilespmem:$0x16EC0];
	_ =	sdelay $0x7  }
0xd4: {  	[tilespmem:v1+s22+$0x0] =	vst.idx.add.f32.msk $0xffff, v0  }
0xd5: {  	v1 =	vld [tilespmem:$0x16ED0];
	_ =	sdelay $0x7  }
0xd6: {  	[tilespmem:v1+s22+$0x0] =	vst.idx.add.f32.msk $0xffff, v0  }
0xd7: {  	_ =	swait.ge [sflag:s31], $0x3000  }
0xd8: {  	[sflag:s31] =	ssyncset.done $0x0  }
0xd9: {  	[sflag:s31] =	ssyncadd.s32 $0xFFFFD000  }
0xda: {  	_ =	swait.ge [sflag:s30], $0x3000  }
0xdb: {  	[sflag:s30] =	ssyncset.done $0x0  }
0xdc: {  	[sflag:s30] =	ssyncadd.s32 $0xFFFFD000  }
0xdd: {  	[spmem:s4] =	stream.indirect.scatter.add.f32 [tilespmem:s29], [sflag:$0x2], $0x80, s8, s26, $0xb8;
	[tilespmem:$0x1F880] =	vst v63  }
0xde: {  	v1 =	vld [tilespmem:$0x16F00];
	_ =	sdelay $0x7  }
0xdf: {  	[tilespmem:v1+s22+$0x0] =	vst.idx.add.f32.msk $0xffff, v0  }
0xe0: {  	v1 =	vld [tilespmem:$0x16F10];
	_ =	sdelay $0x7  }
0xe1: {  	[tilespmem:v1+s22+$0x0] =	vst.idx.add.f32.msk $0xffff, v0  }
0xe2: {  	v1 =	vld [tilespmem:$0x16F20];
	_ =	sdelay $0x7  }
0xe3: {  	[tilespmem:v1+s22+$0x0] =	vst.idx.add.f32.msk $0xffff, v0  }
0xe4: {  	v1 =	vld [tilespmem:$0x16F30];
	_ =	sdelay $0x7  }
0xe5: {  	[tilespmem:v1+s22+$0x0] =	vst.idx.add.f32.msk $0xffff, v0  }
0xe6: {  	v1 =	vld [tilespmem:$0x16F40];
	_ =	sdelay $0x7  }
0xe7: {  	[tilespmem:v1+s22+$0x0] =	vst.idx.add.f32.msk $0xffff, v0  }
0xe8: {  	v1 =	vld [tilespmem:$0x16F50];
	_ =	sdelay $0x7  }
0xe9: {  	[tilespmem:v1+s22+$0x0] =	vst.idx.add.f32.msk $0xffff, v0  }
0xea: {  	_ =	swait.ge [sflag:s31], $0x3000  }
0xeb: {  	[sflag:s31] =	ssyncset.done $0x0  }
0xec: {  	[sflag:s31] =	ssyncadd.s32 $0xFFFFD000  }
0xed: {  	[bflag:$0x0] =	sbarrier.arrive $0xFFFF  }
0xee: {  	s13 =	rddreg [dreg:$0xe]  }
0xef: {  	[hbm:s13], [sflag:s11] =	dma.local [spmem:s12], $0x2800  }
0xf0: {  	_ =	swait.ge [sflag:s23], $0x2800  }
0xf1: {  	[sflag:s23] =	ssyncset.done $0x0  }
0xf2: {  	[sflag:s23] =	ssyncadd.s32 $0xFFFFD800  }
0xf3: {  	[hbm4b:s17+s5] =	stream.linear.scatter [tilespmem:s22], [sflag:$0x3], $0x2800, $0x38;
	[tilespmem:$0x1F880] =	vst v63  }
0xf4: {  	_ =	swait.ge [sflag:s23], $0x2800  }
0xf5: {  	[sflag:s23] =	ssyncset.done $0x0  }
0xf6: {  	[sflag:s23] =	ssyncadd.s32 $0xFFFFD800  }
0xf7: {  	[tilespmem:s22], [sflag:$0x3] =	stream.linear.gather [hbm4b:s7+s5], $0x2800, $0x38;
	[tilespmem:$0x1F880] =	vst v63  }
0xf8: {  	_ =	swait.ge [sflag:s23], $0x2800  }
0xf9: {  	[sflag:s23] =	ssyncset.done $0x0  }
0xfa: {  	[sflag:s23] =	ssyncadd.s32 $0xFFFFD800  }
0xfb: {  	[spmem:s12], [sflag:s11] =	dma.local [hbm:s6], $0x2800  }
0xfc: {  	_ =	swait.ge [sflag:s23], $0x2800  }
0xfd: {  	[sflag:s23] =	ssyncset.done $0x0  }
0xfe: {  	[sflag:s23] =	ssyncadd.s32 $0xFFFFD800  }
0xff: {  	[tilespmem:s24], [sflag:$0x3] =	stream.linear.gather [hbm4b:s18+s5], $0x1440, $0x38;
	[tilespmem:$0x1F880] =	vst v63  }
0x100: {  	_ =	swait.ge [sflag:s23], $0x1440  }
0x101: {  	[sflag:s23] =	ssyncset.done $0x0  }
0x102: {  	[sflag:s23] =	ssyncadd.s32 $0xFFFFEBC0  }
0x103: {  	[tilespmem:s25], [sflag:$0x3] =	stream.linear.gather [hbm4b:s10+s5], $0x1B00, $0x38;
	[tilespmem:$0x1F880] =	vst v63  }
0x104: {  	_ =	swait.ge [sflag:s23], $0x1B00  }
0x105: {  	[sflag:s23] =	ssyncset.done $0x0  }
0x106: {  	[sflag:s23] =	ssyncadd.s32 $0xFFFFE500  }
0x107: {  	s14 =	simm.s32 $0x15500;
	s13 =	simm.s32 $0xFFFFB200;
	[bflag:$0x0] =	sbarrier.arrive $0xFFFF  }
0x108: {  	[tilespmem:s28], [sflag:$0x1] =	stream.indirect.gather [hbm4b:s1+s26], $0x80, s24, s26, $0xb8;
	[tilespmem:$0x1F880] =	vst v63  }
.LBB2_6:
0x109: {  	s15 =	sshra.s32 s13, $0x2  }
0x10a: {  	s16 =	sadd.s32 $0x153E0, s15  }
0x10b: {  	[tilespmem:s29], [sflag:$0x1] =	stream.indirect.gather [hbm4b:s1+s26], $0x80, s16, s26, $0xb8;
	[tilespmem:$0x1F880] =	vst v63  }
0x10c: {  	_ =	swait.ge [sflag:s30], $0x3000  }
0x10d: {  	[sflag:s30] =	ssyncset.done $0x0  }
0x10e: {  	s16 =	sadd.s32 $0xFFFFFF80, s14;
	[sflag:s30] =	ssyncadd.s32 $0xFFFFD000  }
0x10f: {  	[spmem:s4] =	stream.indirect.scatter.add.f32 [tilespmem:s28], [sflag:$0x2], $0x80, s16, s26, $0xb8;
	[tilespmem:$0x1F880] =	vst v63  }
0x110: {  	v1 =	vld [tilespmem:s14+$0xFFFFFF80];
	_ =	sdelay $0x7  }
0x111: {  	[tilespmem:v1+s22+$0x0] =	vst.idx.add.f32.msk $0xffff, v0  }
0x112: {  	v1 =	vld [tilespmem:s14+$0xFFFFFF90];
	_ =	sdelay $0x7  }
0x113: {  	[tilespmem:v1+s22+$0x0] =	vst.idx.add.f32.msk $0xffff, v0  }
0x114: {  	v1 =	vld [tilespmem:s14+$0xFFFFFFA0];
	_ =	sdelay $0x7  }
0x115: {  	[tilespmem:v1+s22+$0x0] =	vst.idx.add.f32.msk $0xffff, v0  }
0x116: {  	v1 =	vld [tilespmem:s14+$0xFFFFFFB0];
	_ =	sdelay $0x7  }
0x117: {  	[tilespmem:v1+s22+$0x0] =	vst.idx.add.f32.msk $0xffff, v0  }
0x118: {  	v1 =	vld [tilespmem:s14+$0xFFFFFFC0];
	_ =	sdelay $0x7  }
0x119: {  	[tilespmem:v1+s22+$0x0] =	vst.idx.add.f32.msk $0xffff, v0  }
0x11a: {  	v1 =	vld [tilespmem:s14+$0xFFFFFFD0];
	_ =	sdelay $0x7  }
0x11b: {  	[tilespmem:v1+s22+$0x0] =	vst.idx.add.f32.msk $0xffff, v0  }
0x11c: {  	_ =	swait.ge [sflag:s31], $0x3000  }
0x11d: {  	[sflag:s31] =	ssyncset.done $0x0  }
0x11e: {  	s15 =	sadd.s32 $0x15440, s15;
	[sflag:s31] =	ssyncadd.s32 $0xFFFFD000  }
0x11f: {  	[tilespmem:s28], [sflag:$0x1] =	stream.indirect.gather [hbm4b:s1+s26], $0x80, s15, s26, $0xb8;
	[tilespmem:$0x1F880] =	vst v63  }
0x120: {  	_ =	swait.ge [sflag:s30], $0x3000  }
0x121: {  	[sflag:s30] =	ssyncset.done $0x0  }
0x122: {  	[sflag:s30] =	ssyncadd.s32 $0xFFFFD000  }
0x123: {  	[spmem:s4] =	stream.indirect.scatter.add.f32 [tilespmem:s29], [sflag:$0x2], $0x80, s14, s26, $0xb8;
	[tilespmem:$0x1F880] =	vst v63  }
0x124: {  	v1 =	vld [tilespmem:s14+$0x0];
	_ =	sdelay $0x7  }
0x125: {  	[tilespmem:v1+s22+$0x0] =	vst.idx.add.f32.msk $0xffff, v0  }
0x126: {  	v1 =	vld [tilespmem:s14+$0x10];
	_ =	sdelay $0x7  }
0x127: {  	[tilespmem:v1+s22+$0x0] =	vst.idx.add.f32.msk $0xffff, v0  }
0x128: {  	v1 =	vld [tilespmem:s14+$0x20];
	_ =	sdelay $0x7  }
0x129: {  	[tilespmem:v1+s22+$0x0] =	vst.idx.add.f32.msk $0xffff, v0  }
0x12a: {  	v1 =	vld [tilespmem:s14+$0x30];
	_ =	sdelay $0x7  }
0x12b: {  	[tilespmem:v1+s22+$0x0] =	vst.idx.add.f32.msk $0xffff, v0  }
0x12c: {  	v1 =	vld [tilespmem:s14+$0x40];
	_ =	sdelay $0x7  }
0x12d: {  	[tilespmem:v1+s22+$0x0] =	vst.idx.add.f32.msk $0xffff, v0  }
0x12e: {  	v1 =	vld [tilespmem:s14+$0x50];
	_ =	sdelay $0x5  }
0x12f: {  	p0 =	sne.s32 s13, $0xFFFFFD00  }
.Ltmp2:
0x130: {  	_ = 	snop;
	(pc) =	sbr.rel @p0 .LBB2_6-.Ltmp2, $4  }
0x131: {  	[tilespmem:v1+s22+$0x0] =	vst.idx.add.f32.msk $0xffff, v0  }
0x132: {  	_ =	swait.ge [sflag:s31], $0x3000  }
0x133: {  	[sflag:s31] =	ssyncset.done $0x0  }
0x134: {  	s13 =	sadd.s32 $0x300, s13;
	s14 =	sadd.s32 $0x100, s14;
	[sflag:s31] =	ssyncadd.s32 $0xFFFFD000  }
0x135: {  	[tilespmem:s29], [sflag:$0x1] =	stream.indirect.gather [hbm4b:s1+s26], $0x80, s3, s26, $0xb8;
	[tilespmem:$0x1F880] =	vst v63  }
0x136: {  	_ =	swait.ge [sflag:s30], $0x3000  }
0x137: {  	[sflag:s30] =	ssyncset.done $0x0  }
0x138: {  	[sflag:s30] =	ssyncadd.s32 $0xFFFFD000  }
0x139: {  	[spmem:s4] =	stream.indirect.scatter.add.f32 [tilespmem:s28], [sflag:$0x2], $0x80, s2, s26, $0xb8;
	[tilespmem:$0x1F880] =	vst v63  }
0x13a: {  	v1 =	vld [tilespmem:$0x16E80];
	_ =	sdelay $0x7  }
0x13b: {  	[tilespmem:v1+s22+$0x0] =	vst.idx.add.f32.msk $0xffff, v0  }
0x13c: {  	v1 =	vld [tilespmem:$0x16E90];
	_ =	sdelay $0x7  }
0x13d: {  	[tilespmem:v1+s22+$0x0] =	vst.idx.add.f32.msk $0xffff, v0  }
0x13e: {  	v1 =	vld [tilespmem:$0x16EA0];
	_ =	sdelay $0x7  }
0x13f: {  	[tilespmem:v1+s22+$0x0] =	vst.idx.add.f32.msk $0xffff, v0  }
0x140: {  	v1 =	vld [tilespmem:$0x16EB0];
	_ =	sdelay $0x7  }
0x141: {  	[tilespmem:v1+s22+$0x0] =	vst.idx.add.f32.msk $0xffff, v0  }
0x142: {  	v1 =	vld [tilespmem:$0x16EC0];
	_ =	sdelay $0x7  }
0x143: {  	[tilespmem:v1+s22+$0x0] =	vst.idx.add.f32.msk $0xffff, v0  }
0x144: {  	v1 =	vld [tilespmem:$0x16ED0];
	_ =	sdelay $0x7  }
0x145: {  	[tilespmem:v1+s22+$0x0] =	vst.idx.add.f32.msk $0xffff, v0  }
0x146: {  	_ =	swait.ge [sflag:s31], $0x3000  }
0x147: {  	[sflag:s31] =	ssyncset.done $0x0  }
0x148: {  	[sflag:s31] =	ssyncadd.s32 $0xFFFFD000  }
0x149: {  	_ =	swait.ge [sflag:s30], $0x3000  }
0x14a: {  	[sflag:s30] =	ssyncset.done $0x0  }
0x14b: {  	[sflag:s30] =	ssyncadd.s32 $0xFFFFD000  }
0x14c: {  	[spmem:s4] =	stream.indirect.scatter.add.f32 [tilespmem:s29], [sflag:$0x2], $0x80, s8, s26, $0xb8;
	[tilespmem:$0x1F880] =	vst v63  }
0x14d: {  	v1 =	vld [tilespmem:$0x16F00];
	_ =	sdelay $0x7  }
0x14e: {  	[tilespmem:v1+s22+$0x0] =	vst.idx.add.f32.msk $0xffff, v0  }
0x14f: {  	v1 =	vld [tilespmem:$0x16F10];
	_ =	sdelay $0x7  }
0x150: {  	[tilespmem:v1+s22+$0x0] =	vst.idx.add.f32.msk $0xffff, v0  }
0x151: {  	v1 =	vld [tilespmem:$0x16F20];
	_ =	sdelay $0x7  }
0x152: {  	[tilespmem:v1+s22+$0x0] =	vst.idx.add.f32.msk $0xffff, v0  }
0x153: {  	v1 =	vld [tilespmem:$0x16F30];
	_ =	sdelay $0x7  }
0x154: {  	[tilespmem:v1+s22+$0x0] =	vst.idx.add.f32.msk $0xffff, v0  }
0x155: {  	v1 =	vld [tilespmem:$0x16F40];
	_ =	sdelay $0x7  }
0x156: {  	[tilespmem:v1+s22+$0x0] =	vst.idx.add.f32.msk $0xffff, v0  }
0x157: {  	v1 =	vld [tilespmem:$0x16F50];
	_ =	sdelay $0x7  }
0x158: {  	[tilespmem:v1+s22+$0x0] =	vst.idx.add.f32.msk $0xffff, v0  }
0x159: {  	_ =	swait.ge [sflag:s31], $0x3000  }
0x15a: {  	[sflag:s31] =	ssyncset.done $0x0  }
0x15b: {  	[sflag:s31] =	ssyncadd.s32 $0xFFFFD000  }
0x15c: {  	[bflag:$0x0] =	sbarrier.arrive $0xFFFF  }
0x15d: {  	[hbm:s19], [sflag:s11] =	dma.local [spmem:s12], $0x2800  }
0x15e: {  	s9 =	sadd.s32 $0x1, s9;
	_ =	swait.ge [sflag:s23], $0x2800  }
0x15f: {  	p0 =	sne.s32 s9, s21;
	[sflag:s23] =	ssyncset.done $0x0  }
.Ltmp3:
0x160: {  	[sflag:s23] =	ssyncadd.s32 $0xFFFFD800;
	(pc) =	sbr.rel @p0 .LBB2_1-.Ltmp3, $4  }
0x161: {  	[hbm4b:s20+s5] =	stream.linear.scatter [tilespmem:s22], [sflag:$0x3], $0x2800, $0x38;
	[tilespmem:$0x1F880] =	vst v63  }
0x162: {  	_ =	swait.ge [sflag:s23], $0x2800  }
0x163: {  	[sflag:s23] =	ssyncset.done $0x0  }
0x164: {  	[sflag:s23] =	ssyncadd.s32 $0xFFFFD800  }
0x165: {  	_ =	sfence.sel $0x180000  }
0x166: {  	[bflag:$0x0] =	sbarrier.arrive $0xFFFF  }
0x167: {  	_ =	strace $0x90000047  }
0x168: {  	s0 =	stileid.u32;
	[bflag:$0x2] =	sbarrier.arrive $0xFFFF  }
0x169: {  	p0 =	sne.s32 s0, $0x0;
	s0 =	rddreg [dreg:$0x6]  }
0x16a: {  	s0 =	sadd.s32 @!p0 $0x100000, s0  }
0x16b: {  	[sflag:s0] =	ssyncadd.tile.s32 @!p0 $0x1;
	_ =	shalt  }
.Lfunc_end2:
_tile_overlayer_lowered:
.L_overlay_start_2:
0x16c: {  	(tag) =	ssettag $0x2  }
0x16d: {  	s0 =	rddreg [dreg:$0x0];
	s2 =	stileid.u32  }
0x16e: {  	s1 =	rddreg [dreg:$0x1];
	p0 =	sne.s32 s2, $0x0  }
0x16f: {  	s3 =	rddreg [dreg:$0x2];
	[bflag:$0x3] =	sbarrier.arrive $0xFFFF;
	s2 =	simm.s32 @!p0 $0x1C03  }
0x170: {  	[timem:s3], [sflag:s2] =	dma.local @!p0 [hbm:s0], s1  }
0x171: {  	s0 =	simm.s32 @!p0 $0x3  }
0x172: {  	_ =	swait.ge @!p0 [sflag:s0], s1  }
0x173: {  	s1 =	ssub.s32 @!p0 $0x0, s1;
	[sflag:s0] =	ssyncset.done @!p0 $0x0  }
0x174: {  	[sflag:s0] =	ssyncadd.s32 @!p0 s1  }
0x175: {  	[bflag:$0x3] =	sbarrier.arrive $0xFFFF  }
0x176: {  	_ =	shalt  }

</sc_bundles>
